<compile_context>
chip_gen: v7x
topology: tpu7x:2x2x1
jax: 0.10.2.dev20260603
libtpu: 0.0.44.dev20260713+nightly
codegen_flags: <defaults>
</compile_context>

<pallas_src>
import jax
import jax.numpy as jnp
from jax import lax
from jax.experimental import pallas as pl
from jax.experimental.pallas import tpu as pltpu
from jax.experimental.pallas import tpu_sc as plsc

_B, _C, _H, _W, _K, _NC = 8, 2, 128, 128, 128, 80
_HW = _H * _W
_NSLOT = _B * _K
_NCORE = 2
_NSUB = 16
_NW = _NCORE * _NSUB
_PER = _NSLOT // _NW
_NCHUNK = _PER // 16

_IV_IND = 0
_IV_INDE = _PER
_IV_IDXP = 4 * _PER
_IV_IDXH = 6 * _PER
_IV_LEN = 7 * _PER
_FV_MASK = 0
_FV_TGT = _PER
_FV_PRED = 3 * _PER
_FV_P = 5 * _PER
_FV_ACC = 6 * _PER
_FV_LEN = 7 * _PER


def _smooth_l1_vec(d):
    a = jnp.abs(d)
    return jnp.where(a < 1.0, 0.5 * a * a, a - 0.5)


def _sc_loss_kernel(out_flat, hm_flat, ind, inde_flat, mask, tgt_flat,
                    o_parts, iv, fv, accv, sem_i, sem_e, sem_j):
    cid = lax.axis_index("c")
    sid = lax.axis_index("s")
    wid = cid * _NSUB + sid
    base = wid * _PER
    b = lax.div(base, _K)

    cmi = pltpu.async_copy(ind.at[pl.ds(base, _PER)],
                           iv.at[pl.ds(_IV_IND, _PER)], sem_i)
    cme = pltpu.async_copy(inde_flat.at[pl.ds(3 * base, 3 * _PER)],
                           iv.at[pl.ds(_IV_INDE, 3 * _PER)], sem_e)
    cmm = pltpu.async_copy(mask.at[pl.ds(base, _PER)],
                           fv.at[pl.ds(_FV_MASK, _PER)], sem_j)
    cmt = pltpu.async_copy(tgt_flat.at[pl.ds(2 * base, 2 * _PER)],
                           fv.at[pl.ds(_FV_TGT, 2 * _PER)], sem_j)

    iota = lax.iota(jnp.int32, 16)
    cmi.wait()
    for c in range(_NCHUNK):
        p0 = b * (_C * _HW) + iv[pl.ds(_IV_IND + 16 * c, 16)]
        j2 = _IV_IDXP + (iota + 16 * c) * 2
        plsc.store_scatter(iv, [j2], p0)
        plsc.store_scatter(iv, [j2 + 1], p0 + _HW)
    cpp = pltpu.async_copy(out_flat.at[iv.at[pl.ds(_IV_IDXP, 2 * _PER)]],
                           fv.at[pl.ds(_FV_PRED, 2 * _PER)], sem_j)

    cme.wait()
    for c in range(_NCHUNK):
        j3 = _IV_INDE + (iota + 16 * c) * 3
        i0 = plsc.load_gather(iv, [j3])
        i1 = plsc.load_gather(iv, [j3 + 1])
        i2 = plsc.load_gather(iv, [j3 + 2])
        iv[pl.ds(_IV_IDXH + 16 * c, 16)] = (b * (_NC * _HW) + i0 * _HW
                                            + i1 * _W + i2)
    cph = pltpu.async_copy(hm_flat.at[iv.at[pl.ds(_IV_IDXH, _PER)]],
                           fv.at[pl.ds(_FV_P, _PER)], sem_j)

    cmm.wait()
    cmt.wait()
    cpp.wait()
    cph.wait()

    acc = jnp.zeros((16,), jnp.float32)
    mac = jnp.zeros((16,), jnp.float32)
    for c in range(2 * _NCHUNK):
        j = iota + 16 * c
        slot = lax.shift_right_logical(j, 1)
        s = _smooth_l1_vec(fv[pl.ds(_FV_PRED + 16 * c, 16)]
                           - fv[pl.ds(_FV_TGT + 16 * c, 16)])
        w = 1.0 + plsc.load_gather(fv, [_FV_P + slot])
        m = plsc.load_gather(fv, [_FV_MASK + slot])
        acc = acc + s * (w * w * m * 0.5)
    for c in range(_NCHUNK):
        mac = mac + fv[pl.ds(_FV_MASK + 16 * c, 16)]
    accv[0, :] = acc
    accv[1, :] = mac
    pltpu.sync_copy(accv, o_parts.at[wid])


def _tc_finish_kernel(parts_ref, out_ref):
    a = parts_ref[...]
    num = jnp.sum(a[:, 0, :])
    den = jnp.sum(a[:, 1, :])
    out_ref[...] = jnp.broadcast_to(num / den, (1, 1))


@jax.jit
def kernel(output, mask, ind, target, inde, hm):
    out_flat = output.reshape(-1)
    hm_flat = hm.reshape(-1)
    ind_f = ind.reshape(-1).astype(jnp.int32)
    inde_flat = inde.reshape(-1).astype(jnp.int32)
    mask_f = mask.reshape(-1)
    tgt_flat = target.reshape(-1)

    f32 = jnp.float32
    i32 = jnp.int32
    sc_run = pl.kernel(
        _sc_loss_kernel,
        out_type=jax.ShapeDtypeStruct((_NW, 2, 16), f32),
        mesh=plsc.VectorSubcoreMesh(core_axis_name="c", subcore_axis_name="s"),
        compiler_params=pltpu.CompilerParams(needs_layout_passes=False),
        scratch_types=[
            pltpu.VMEM((_IV_LEN,), i32),
            pltpu.VMEM((_FV_LEN,), f32),
            pltpu.VMEM((2, 16), f32),
            pltpu.SemaphoreType.DMA,
            pltpu.SemaphoreType.DMA,
            pltpu.SemaphoreType.DMA,
        ],
    )
    parts = sc_run(out_flat, hm_flat, ind_f, inde_flat, mask_f, tgt_flat)

    loss = pl.pallas_call(
        _tc_finish_kernel,
        out_shape=jax.ShapeDtypeStruct((1, 1), f32),
    )(parts)
    return loss[0, 0]

# --- scband reference (transcript-rebuilt; emitter-appended) ---
"""Pipeline reference for scband-off-smooth-l1-loss-plus-54417235640819 (READ-ONLY COPY).

The authoritative reference and input builder live on the scoring server;
editing this copy changes nothing except your own understanding.
"""

import jax, jax.numpy as jnp
import numpy as np


def setup_inputs(seed: int = 0) -> dict:
    key = jax.random.key(seed)
    k1, k2, k3, k4, k5 = jax.random.split(key, 5)
    B, C, H, W, K, NC = 8, 2, 128, 128, 128, 80
    output = jax.random.normal(k1, (B, C, H, W), dtype=jnp.float32)
    mask = jnp.ones((B, K), dtype=jnp.float32)
    ind = jax.random.randint(k2, (B, K), 0, H * W)
    target = jax.random.normal(k3, (B, K, C), dtype=jnp.float32)
    inde = jax.random.randint(k4, (B, K, 3), 0, 80)
    hm = jax.random.uniform(k5, (B, NC, H, W), dtype=jnp.float32)
    return {"output": output, "mask": mask, "ind": ind, "target": target, "inde": inde, "hm": hm}


def _smooth_l1(pred, tgt):
    d = jnp.abs(pred - tgt)
    return jnp.where(d < 1.0, 0.5 * d * d, d - 0.5)


def reference(output, mask, ind, target, inde, hm):
    # _tranpose_and_gather_feat: permute(0,2,3,1) -> view(B, H*W, C) -> gather along dim 1
    B, C, H, W = output.shape
    feat = jnp.transpose(output, (0, 2, 3, 1)).reshape(B, H * W, C)
    pred = jnp.take_along_axis(feat, ind[:, :, None], axis=1)  # [B, K, C]
    # Per masked slot: p = hm[b, inde[b,k,0], inde[b,k,1], inde[b,k,2]]
    b_idx = jnp.arange(B)[:, None]
    p = hm[b_idx, inde[..., 0], inde[..., 1], inde[..., 2]]  # [B, K]
    # Original loops over each nonzero mask slot, computing mean smooth-L1 over the C
    # channels of that slot, weighted by (1+p)^2, then divides by num. With mask as a
    # {0,1} tensor this is exactly the vectorized weighted mean below.
    per_slot = jnp.mean(_smooth_l1(pred, target), axis=2)  # [B, K]
    weight = (1.0 + p) ** 2
    num = jnp.sum(mask)
    loss = jnp.sum(mask * per_slot * weight) / num
    return loss

if __name__ == "__main__":
    import jax
    _d = setup_inputs()
    print(jax.jit(kernel)(*tuple(_d.values())))

</pallas_src>

<mosaic_0001>
#map = affine_map<(d0, d1) -> (0)>
#map1 = affine_map<(d0, d1) -> (0, 0, 0)>
module attributes {stable_mosaic.version = 14 : i64} {
  func.func @_sc_loss_kernel(%arg0: i32, %arg1: i32, %arg2: memref<262144xf32, #tpu.memory_space<hbm>>, %arg3: memref<10485760xf32, #tpu.memory_space<hbm>>, %arg4: memref<1024xi32, #tpu.memory_space<hbm>>, %arg5: memref<3072xi32, #tpu.memory_space<hbm>>, %arg6: memref<1024xf32, #tpu.memory_space<hbm>>, %arg7: memref<2048xf32, #tpu.memory_space<hbm>>, %arg8: memref<32x2x16xf32, #tpu.memory_space<hbm>>, %arg9: memref<224xi32, #tpu.memory_space<vmem>>, %arg10: memref<224xf32, #tpu.memory_space<vmem>>, %arg11: memref<2x16xf32, #tpu.memory_space<vmem>>, %arg12: memref<!tpu.dma_semaphore, #tpu.memory_space<semaphore_mem>>, %arg13: memref<!tpu.dma_semaphore, #tpu.memory_space<semaphore_mem>>, %arg14: memref<!tpu.dma_semaphore, #tpu.memory_space<semaphore_mem>>) attributes {dimension_semantics = [#tpu.dimension_semantics<core_parallel>, #tpu.dimension_semantics<subcore_parallel>], iteration_bounds = array<i64: 2, 16>, scalar_prefetch = 0 : i64, scratch_operands = 6 : i64, tpu.core_type = #tpu.core_type<sc_vector_subcore>, window_params = [{transform_indices = #map}, {transform_indices = #map}, {transform_indices = #map}, {transform_indices = #map}, {transform_indices = #map}, {transform_indices = #map}, {transform_indices = #map1}]} {
    %mul3A = arith.constant 16 : i32
    %mul3A_0 = arith.muli %arg0, %mul3A : i32
    %add3A = arith.addi %mul3A_0, %arg1 : i32
    %mul3A_1 = arith.constant 32 : i32
    %mul3A_2 = arith.muli %add3A, %mul3A_1 : i32
    %div3A = arith.constant 128 : i32
    %div3A_3 = arith.divsi %mul3A_2, %div3A : i32
    %dma_start3A = arith.constant 0 : i32
    %dma_start3A_4 = tpu.memref_slice %arg9[%dma_start3A] : memref<224xi32, #tpu.memory_space<vmem>> -> memref<32xi32, #tpu.memory_space<vmem>>
    %dma_start3A_5 = tpu.memref_slice %arg4[%mul3A_2] : memref<1024xi32, #tpu.memory_space<hbm>> -> memref<32xi32, #tpu.memory_space<hbm>>
    %dma_start3A_6 = arith.constant 0 : i32
    %dma_start3A_7 = tpu.memref_slice %arg9[%dma_start3A_6] : memref<224xi32, #tpu.memory_space<vmem>> -> memref<32xi32, #tpu.memory_space<vmem>>
    %dma_start3A_8 = tpu.memref_slice %arg4[%mul3A_2] : memref<1024xi32, #tpu.memory_space<hbm>> -> memref<32xi32, #tpu.memory_space<hbm>>
    tpu.enqueue_dma source(%dma_start3A_8 : memref<32xi32, #tpu.memory_space<hbm>>) target(%dma_start3A_7 : memref<32xi32, #tpu.memory_space<vmem>>) target_semaphore(%arg12 : memref<!tpu.dma_semaphore, #tpu.memory_space<semaphore_mem>>)
    %mul3A_9 = arith.constant 3 : i32
    %mul3A_10 = arith.muli %mul3A_9, %mul3A_2 : i32
    %dma_start3A_11 = arith.constant 32 : i32
    %dma_start3A_12 = tpu.memref_slice %arg9[%dma_start3A_11] : memref<224xi32, #tpu.memory_space<vmem>> -> memref<96xi32, #tpu.memory_space<vmem>>
    %dma_start3A_13 = tpu.memref_slice %arg5[%mul3A_10] : memref<3072xi32, #tpu.memory_space<hbm>> -> memref<96xi32, #tpu.memory_space<hbm>>
    %dma_start3A_14 = arith.constant 32 : i32
    %dma_start3A_15 = tpu.memref_slice %arg9[%dma_start3A_14] : memref<224xi32, #tpu.memory_space<vmem>> -> memref<96xi32, #tpu.memory_space<vmem>>
    %dma_start3A_16 = tpu.memref_slice %arg5[%mul3A_10] : memref<3072xi32, #tpu.memory_space<hbm>> -> memref<96xi32, #tpu.memory_space<hbm>>
    tpu.enqueue_dma source(%dma_start3A_16 : memref<96xi32, #tpu.memory_space<hbm>>) target(%dma_start3A_15 : memref<96xi32, #tpu.memory_space<vmem>>) target_semaphore(%arg13 : memref<!tpu.dma_semaphore, #tpu.memory_space<semaphore_mem>>)
    %dma_start3A_17 = arith.constant 0 : i32
    %dma_start3A_18 = tpu.memref_slice %arg10[%dma_start3A_17] : memref<224xf32, #tpu.memory_space<vmem>> -> memref<32xf32, #tpu.memory_space<vmem>>
    %dma_start3A_19 = tpu.memref_slice %arg6[%mul3A_2] : memref<1024xf32, #tpu.memory_space<hbm>> -> memref<32xf32, #tpu.memory_space<hbm>>
    %dma_start3A_20 = arith.constant 0 : i32
    %dma_start3A_21 = tpu.memref_slice %arg10[%dma_start3A_20] : memref<224xf32, #tpu.memory_space<vmem>> -> memref<32xf32, #tpu.memory_space<vmem>>
    %dma_start3A_22 = tpu.memref_slice %arg6[%mul3A_2] : memref<1024xf32, #tpu.memory_space<hbm>> -> memref<32xf32, #tpu.memory_space<hbm>>
    tpu.enqueue_dma source(%dma_start3A_22 : memref<32xf32, #tpu.memory_space<hbm>>) target(%dma_start3A_21 : memref<32xf32, #tpu.memory_space<vmem>>) target_semaphore(%arg14 : memref<!tpu.dma_semaphore, #tpu.memory_space<semaphore_mem>>)
    %mul3A_23 = arith.constant 2 : i32
    %mul3A_24 = arith.muli %mul3A_23, %mul3A_2 : i32
    %dma_start3A_25 = arith.constant 32 : i32
    %dma_start3A_26 = tpu.memref_slice %arg10[%dma_start3A_25] : memref<224xf32, #tpu.memory_space<vmem>> -> memref<64xf32, #tpu.memory_space<vmem>>
    %dma_start3A_27 = tpu.memref_slice %arg7[%mul3A_24] : memref<2048xf32, #tpu.memory_space<hbm>> -> memref<64xf32, #tpu.memory_space<hbm>>
    %dma_start3A_28 = arith.constant 32 : i32
    %dma_start3A_29 = tpu.memref_slice %arg10[%dma_start3A_28] : memref<224xf32, #tpu.memory_space<vmem>> -> memref<64xf32, #tpu.memory_space<vmem>>
    %dma_start3A_30 = tpu.memref_slice %arg7[%mul3A_24] : memref<2048xf32, #tpu.memory_space<hbm>> -> memref<64xf32, #tpu.memory_space<hbm>>
    tpu.enqueue_dma source(%dma_start3A_30 : memref<64xf32, #tpu.memory_space<hbm>>) target(%dma_start3A_29 : memref<64xf32, #tpu.memory_space<vmem>>) target_semaphore(%arg14 : memref<!tpu.dma_semaphore, #tpu.memory_space<semaphore_mem>>)
    %iota3A = tpu.iota {dimensions = array<i32: 0>} : vector<16xi32>
    %dma_wait3A = arith.constant 0 : i32
    %dma_wait3A_31 = tpu.memref_slice %arg9[%dma_wait3A] : memref<224xi32, #tpu.memory_space<vmem>> -> memref<32xi32, #tpu.memory_space<vmem>>
    %dma_wait3A_32 = tpu.memref_slice %arg4[%mul3A_2] : memref<1024xi32, #tpu.memory_space<hbm>> -> memref<32xi32, #tpu.memory_space<hbm>>
    %dma_wait3A_33 = arith.constant 0 : i32
    %dma_wait3A_34 = tpu.memref_slice %arg9[%dma_wait3A_33] : memref<224xi32, #tpu.memory_space<vmem>> -> memref<32xi32, #tpu.memory_space<vmem>>
    %dma_wait3A_35 = tpu.memref_slice %arg4[%mul3A_2] : memref<1024xi32, #tpu.memory_space<hbm>> -> memref<32xi32, #tpu.memory_space<hbm>>
    tpu.wait_dma2 semaphore(%arg12 : memref<!tpu.dma_semaphore, #tpu.memory_space<semaphore_mem>>) src(%dma_wait3A_35 : memref<32xi32, #tpu.memory_space<hbm>>) dst(%dma_wait3A_34 : memref<32xi32, #tpu.memory_space<vmem>>)
    %mul3A_36 = arith.constant 32768 : i32
    %mul3A_37 = arith.muli %div3A_3, %mul3A_36 : i32
    %get3A = arith.constant 0 : index
    %get3A_38 = tpu.vector_load %arg9[%get3A] {strides = array<i32>} : memref<224xi32, #tpu.memory_space<vmem>>, vector<16xi32>,
    %add3A_39 = vector.broadcast %mul3A_37 : i32 to vector<16xi32>
    %add3A_40 = arith.addi %add3A_39, %get3A_38 : vector<16xi32>
    %add3A_41 = arith.constant 0 : i32
    %add3A_42 = vector.broadcast %add3A_41 : i32 to vector<16xi32>
    %add3A_43 = arith.addi %iota3A, %add3A_42 : vector<16xi32>
    %mul3A_44 = arith.constant 2 : i32
    %mul3A_45 = vector.broadcast %mul3A_44 : i32 to vector<16xi32>
    %mul3A_46 = arith.muli %add3A_43, %mul3A_45 : vector<16xi32>
    %add3A_47 = arith.constant 128 : i32
    %add3A_48 = vector.broadcast %add3A_47 : i32 to vector<16xi32>
    %add3A_49 = arith.addi %add3A_48, %mul3A_46 : vector<16xi32>
    tpu.vector_store_idx %arg9[%add3A_49], %add3A_40 : memref<224xi32, #tpu.memory_space<vmem>>[vector<16xi32>], vector<16xi32>,
    %add3A_50 = arith.constant 1 : i32
    %add3A_51 = vector.broadcast %add3A_50 : i32 to vector<16xi32>
    %add3A_52 = arith.addi %add3A_49, %add3A_51 : vector<16xi32>
    %add3A_53 = arith.constant 16384 : i32
    %add3A_54 = vector.broadcast %add3A_53 : i32 to vector<16xi32>
    %add3A_55 = arith.addi %add3A_40, %add3A_54 : vector<16xi32>
    tpu.vector_store_idx %arg9[%add3A_52], %add3A_55 : memref<224xi32, #tpu.memory_space<vmem>>[vector<16xi32>], vector<16xi32>,
    %mul3A_56 = arith.constant 32768 : i32
    %mul3A_57 = arith.muli %div3A_3, %mul3A_56 : i32
    %get3A_58 = arith.constant 16 : index
    %get3A_59 = tpu.vector_load %arg9[%get3A_58] {strides = array<i32>} : memref<224xi32, #tpu.memory_space<vmem>>, vector<16xi32>,
    %add3A_60 = vector.broadcast %mul3A_57 : i32 to vector<16xi32>
    %add3A_61 = arith.addi %add3A_60, %get3A_59 : vector<16xi32>
    %add3A_62 = arith.constant 16 : i32
    %add3A_63 = vector.broadcast %add3A_62 : i32 to vector<16xi32>
    %add3A_64 = arith.addi %iota3A, %add3A_63 : vector<16xi32>
    %mul3A_65 = arith.constant 2 : i32
    %mul3A_66 = vector.broadcast %mul3A_65 : i32 to vector<16xi32>
    %mul3A_67 = arith.muli %add3A_64, %mul3A_66 : vector<16xi32>
    %add3A_68 = arith.constant 128 : i32
    %add3A_69 = vector.broadcast %add3A_68 : i32 to vector<16xi32>
    %add3A_70 = arith.addi %add3A_69, %mul3A_67 : vector<16xi32>
    tpu.vector_store_idx %arg9[%add3A_70], %add3A_61 : memref<224xi32, #tpu.memory_space<vmem>>[vector<16xi32>], vector<16xi32>,
    %add3A_71 = arith.constant 1 : i32
    %add3A_72 = vector.broadcast %add3A_71 : i32 to vector<16xi32>
    %add3A_73 = arith.addi %add3A_70, %add3A_72 : vector<16xi32>
    %add3A_74 = arith.constant 16384 : i32
    %add3A_75 = vector.broadcast %add3A_74 : i32 to vector<16xi32>
    %add3A_76 = arith.addi %add3A_61, %add3A_75 : vector<16xi32>
    tpu.vector_store_idx %arg9[%add3A_73], %add3A_76 : memref<224xi32, #tpu.memory_space<vmem>>[vector<16xi32>], vector<16xi32>,
    %dma_start3A_77 = arith.constant 96 : i32
    %dma_start3A_78 = tpu.memref_slice %arg10[%dma_start3A_77] : memref<224xf32, #tpu.memory_space<vmem>> -> memref<64xf32, #tpu.memory_space<vmem>>
    %dma_start3A_79 = arith.constant 128 : i32
    %dma_start3A_80 = tpu.memref_slice %arg9[%dma_start3A_79] : memref<224xi32, #tpu.memory_space<vmem>> -> memref<64xi32, #tpu.memory_space<vmem>>
    %dma_start3A_81 = arith.constant 0 : i32
    %dma_start3A_82 = tpu.memref_slice %arg2[%dma_start3A_81] : memref<262144xf32, #tpu.memory_space<hbm>> -> memref<262144xf32, #tpu.memory_space<hbm>>
    tpu.enqueue_indirect_dma source(%dma_start3A_82 : memref<262144xf32, #tpu.memory_space<hbm>>) target(%dma_start3A_78 : memref<64xf32, #tpu.memory_space<vmem>>) offsets(%dma_start3A_80 : memref<64xi32, #tpu.memory_space<vmem>>) semaphore(%arg14 : memref<!tpu.dma_semaphore, #tpu.memory_space<semaphore_mem>>)
    %dma_wait3A_83 = arith.constant 32 : i32
    %dma_wait3A_84 = tpu.memref_slice %arg9[%dma_wait3A_83] : memref<224xi32, #tpu.memory_space<vmem>> -> memref<96xi32, #tpu.memory_space<vmem>>
    %dma_wait3A_85 = tpu.memref_slice %arg5[%mul3A_10] : memref<3072xi32, #tpu.memory_space<hbm>> -> memref<96xi32, #tpu.memory_space<hbm>>
    %dma_wait3A_86 = arith.constant 32 : i32
    %dma_wait3A_87 = tpu.memref_slice %arg9[%dma_wait3A_86] : memref<224xi32, #tpu.memory_space<vmem>> -> memref<96xi32, #tpu.memory_space<vmem>>
    %dma_wait3A_88 = tpu.memref_slice %arg5[%mul3A_10] : memref<3072xi32, #tpu.memory_space<hbm>> -> memref<96xi32, #tpu.memory_space<hbm>>
    tpu.wait_dma2 semaphore(%arg13 : memref<!tpu.dma_semaphore, #tpu.memory_space<semaphore_mem>>) src(%dma_wait3A_88 : memref<96xi32, #tpu.memory_space<hbm>>) dst(%dma_wait3A_87 : memref<96xi32, #tpu.memory_space<vmem>>)
    %add3A_89 = arith.constant 0 : i32
    %add3A_90 = vector.broadcast %add3A_89 : i32 to vector<16xi32>
    %add3A_91 = arith.addi %iota3A, %add3A_90 : vector<16xi32>
    %mul3A_92 = arith.constant 3 : i32
    %mul3A_93 = vector.broadcast %mul3A_92 : i32 to vector<16xi32>
    %mul3A_94 = arith.muli %add3A_91, %mul3A_93 : vector<16xi32>
    %add3A_95 = arith.constant 32 : i32
    %add3A_96 = vector.broadcast %add3A_95 : i32 to vector<16xi32>
    %add3A_97 = arith.addi %add3A_96, %mul3A_94 : vector<16xi32>
    %gather3A = tpu.vector_load_idx %arg9[%add3A_97] : memref<224xi32, #tpu.memory_space<vmem>>[vector<16xi32>], vector<16xi32>,
    %add3A_98 = arith.constant 1 : i32
    %add3A_99 = vector.broadcast %add3A_98 : i32 to vector<16xi32>
    %add3A_100 = arith.addi %add3A_97, %add3A_99 : vector<16xi32>
    %gather3A_101 = tpu.vector_load_idx %arg9[%add3A_100] : memref<224xi32, #tpu.memory_space<vmem>>[vector<16xi32>], vector<16xi32>,
    %add3A_102 = arith.constant 2 : i32
    %add3A_103 = vector.broadcast %add3A_102 : i32 to vector<16xi32>
    %add3A_104 = arith.addi %add3A_97, %add3A_103 : vector<16xi32>
    %gather3A_105 = tpu.vector_load_idx %arg9[%add3A_104] : memref<224xi32, #tpu.memory_space<vmem>>[vector<16xi32>], vector<16xi32>,
    %mul3A_106 = arith.constant 1310720 : i32
    %mul3A_107 = arith.muli %div3A_3, %mul3A_106 : i32
    %mul3A_108 = arith.constant 16384 : i32
    %mul3A_109 = vector.broadcast %mul3A_108 : i32 to vector<16xi32>
    %mul3A_110 = arith.muli %gather3A, %mul3A_109 : vector<16xi32>
    %add3A_111 = vector.broadcast %mul3A_107 : i32 to vector<16xi32>
    %add3A_112 = arith.addi %add3A_111, %mul3A_110 : vector<16xi32>
    %mul3A_113 = arith.constant 128 : i32
    %mul3A_114 = vector.broadcast %mul3A_113 : i32 to vector<16xi32>
    %mul3A_115 = arith.muli %gather3A_101, %mul3A_114 : vector<16xi32>
    %add3A_116 = arith.addi %add3A_112, %mul3A_115 : vector<16xi32>
    %add3A_117 = arith.addi %add3A_116, %gather3A_105 : vector<16xi32>
    %swap3A = arith.constant 192 : index
    %swap3A_118 = tpu.vector_load %arg9[%swap3A] {strides = array<i32>} : memref<224xi32, #tpu.memory_space<vmem>>, vector<16xi32>,
    tpu.vector_store %arg9[%swap3A], %add3A_117 {strides = array<i32>} : memref<224xi32, #tpu.memory_space<vmem>>, vector<16xi32>,
    %add3A_119 = arith.constant 16 : i32
    %add3A_120 = vector.broadcast %add3A_119 : i32 to vector<16xi32>
    %add3A_121 = arith.addi %iota3A, %add3A_120 : vector<16xi32>
    %mul3A_122 = arith.constant 3 : i32
    %mul3A_123 = vector.broadcast %mul3A_122 : i32 to vector<16xi32>
    %mul3A_124 = arith.muli %add3A_121, %mul3A_123 : vector<16xi32>
    %add3A_125 = arith.constant 32 : i32
    %add3A_126 = vector.broadcast %add3A_125 : i32 to vector<16xi32>
    %add3A_127 = arith.addi %add3A_126, %mul3A_124 : vector<16xi32>
    %gather3A_128 = tpu.vector_load_idx %arg9[%add3A_127] : memref<224xi32, #tpu.memory_space<vmem>>[vector<16xi32>], vector<16xi32>,
    %add3A_129 = arith.constant 1 : i32
    %add3A_130 = vector.broadcast %add3A_129 : i32 to vector<16xi32>
    %add3A_131 = arith.addi %add3A_127, %add3A_130 : vector<16xi32>
    %gather3A_132 = tpu.vector_load_idx %arg9[%add3A_131] : memref<224xi32, #tpu.memory_space<vmem>>[vector<16xi32>], vector<16xi32>,
    %add3A_133 = arith.constant 2 : i32
    %add3A_134 = vector.broadcast %add3A_133 : i32 to vector<16xi32>
    %add3A_135 = arith.addi %add3A_127, %add3A_134 : vector<16xi32>
    %gather3A_136 = tpu.vector_load_idx %arg9[%add3A_135] : memref<224xi32, #tpu.memory_space<vmem>>[vector<16xi32>], vector<16xi32>,
    %mul3A_137 = arith.constant 1310720 : i32
    %mul3A_138 = arith.muli %div3A_3, %mul3A_137 : i32
    %mul3A_139 = arith.constant 16384 : i32
    %mul3A_140 = vector.broadcast %mul3A_139 : i32 to vector<16xi32>
    %mul3A_141 = arith.muli %gather3A_128, %mul3A_140 : vector<16xi32>
    %add3A_142 = vector.broadcast %mul3A_138 : i32 to vector<16xi32>
    %add3A_143 = arith.addi %add3A_142, %mul3A_141 : vector<16xi32>
    %mul3A_144 = arith.constant 128 : i32
    %mul3A_145 = vector.broadcast %mul3A_144 : i32 to vector<16xi32>
    %mul3A_146 = arith.muli %gather3A_132, %mul3A_145 : vector<16xi32>
    %add3A_147 = arith.addi %add3A_143, %mul3A_146 : vector<16xi32>
    %add3A_148 = arith.addi %add3A_147, %gather3A_136 : vector<16xi32>
    %swap3A_149 = arith.constant 208 : index
    %swap3A_150 = tpu.vector_load %arg9[%swap3A_149] {strides = array<i32>} : memref<224xi32, #tpu.memory_space<vmem>>, vector<16xi32>,
    tpu.vector_store %arg9[%swap3A_149], %add3A_148 {strides = array<i32>} : memref<224xi32, #tpu.memory_space<vmem>>, vector<16xi32>,
    %dma_start3A_151 = arith.constant 160 : i32
    %dma_start3A_152 = tpu.memref_slice %arg10[%dma_start3A_151] : memref<224xf32, #tpu.memory_space<vmem>> -> memref<32xf32, #tpu.memory_space<vmem>>
    %dma_start3A_153 = arith.constant 192 : i32
    %dma_start3A_154 = tpu.memref_slice %arg9[%dma_start3A_153] : memref<224xi32, #tpu.memory_space<vmem>> -> memref<32xi32, #tpu.memory_space<vmem>>
    %dma_start3A_155 = arith.constant 0 : i32
    %dma_start3A_156 = tpu.memref_slice %arg3[%dma_start3A_155] : memref<10485760xf32, #tpu.memory_space<hbm>> -> memref<10485760xf32, #tpu.memory_space<hbm>>
    tpu.enqueue_indirect_dma source(%dma_start3A_156 : memref<10485760xf32, #tpu.memory_space<hbm>>) target(%dma_start3A_152 : memref<32xf32, #tpu.memory_space<vmem>>) offsets(%dma_start3A_154 : memref<32xi32, #tpu.memory_space<vmem>>) semaphore(%arg14 : memref<!tpu.dma_semaphore, #tpu.memory_space<semaphore_mem>>)
    %dma_wait3A_157 = arith.constant 0 : i32
    %dma_wait3A_158 = tpu.memref_slice %arg10[%dma_wait3A_157] : memref<224xf32, #tpu.memory_space<vmem>> -> memref<32xf32, #tpu.memory_space<vmem>>
    %dma_wait3A_159 = tpu.memref_slice %arg6[%mul3A_2] : memref<1024xf32, #tpu.memory_space<hbm>> -> memref<32xf32, #tpu.memory_space<hbm>>
    %dma_wait3A_160 = arith.constant 0 : i32
    %dma_wait3A_161 = tpu.memref_slice %arg10[%dma_wait3A_160] : memref<224xf32, #tpu.memory_space<vmem>> -> memref<32xf32, #tpu.memory_space<vmem>>
    %dma_wait3A_162 = tpu.memref_slice %arg6[%mul3A_2] : memref<1024xf32, #tpu.memory_space<hbm>> -> memref<32xf32, #tpu.memory_space<hbm>>
    tpu.wait_dma2 semaphore(%arg14 : memref<!tpu.dma_semaphore, #tpu.memory_space<semaphore_mem>>) src(%dma_wait3A_162 : memref<32xf32, #tpu.memory_space<hbm>>) dst(%dma_wait3A_161 : memref<32xf32, #tpu.memory_space<vmem>>)
    %dma_wait3A_163 = arith.constant 32 : i32
    %dma_wait3A_164 = tpu.memref_slice %arg10[%dma_wait3A_163] : memref<224xf32, #tpu.memory_space<vmem>> -> memref<64xf32, #tpu.memory_space<vmem>>
    %dma_wait3A_165 = tpu.memref_slice %arg7[%mul3A_24] : memref<2048xf32, #tpu.memory_space<hbm>> -> memref<64xf32, #tpu.memory_space<hbm>>
    %dma_wait3A_166 = arith.constant 32 : i32
    %dma_wait3A_167 = tpu.memref_slice %arg10[%dma_wait3A_166] : memref<224xf32, #tpu.memory_space<vmem>> -> memref<64xf32, #tpu.memory_space<vmem>>
    %dma_wait3A_168 = tpu.memref_slice %arg7[%mul3A_24] : memref<2048xf32, #tpu.memory_space<hbm>> -> memref<64xf32, #tpu.memory_space<hbm>>
    tpu.wait_dma2 semaphore(%arg14 : memref<!tpu.dma_semaphore, #tpu.memory_space<semaphore_mem>>) src(%dma_wait3A_168 : memref<64xf32, #tpu.memory_space<hbm>>) dst(%dma_wait3A_167 : memref<64xf32, #tpu.memory_space<vmem>>)
    %dma_wait3A_169 = arith.constant 96 : i32
    %dma_wait3A_170 = tpu.memref_slice %arg10[%dma_wait3A_169] : memref<224xf32, #tpu.memory_space<vmem>> -> memref<64xf32, #tpu.memory_space<vmem>>
    %dma_wait3A_171 = arith.constant 128 : i32
    %dma_wait3A_172 = tpu.memref_slice %arg9[%dma_wait3A_171] : memref<224xi32, #tpu.memory_space<vmem>> -> memref<64xi32, #tpu.memory_space<vmem>>
    %dma_wait3A_173 = arith.constant 0 : i32
    %dma_wait3A_174 = tpu.memref_slice %arg2[%dma_wait3A_173] : memref<262144xf32, #tpu.memory_space<hbm>> -> memref<262144xf32, #tpu.memory_space<hbm>>
    tpu.wait_indirect_dma semaphore(%arg14 : memref<!tpu.dma_semaphore, #tpu.memory_space<semaphore_mem>>) src(%dma_wait3A_174 : memref<262144xf32, #tpu.memory_space<hbm>>) dst(%dma_wait3A_170 : memref<64xf32, #tpu.memory_space<vmem>>)
    %dma_wait3A_175 = arith.constant 160 : i32
    %dma_wait3A_176 = tpu.memref_slice %arg10[%dma_wait3A_175] : memref<224xf32, #tpu.memory_space<vmem>> -> memref<32xf32, #tpu.memory_space<vmem>>
    %dma_wait3A_177 = arith.constant 192 : i32
    %dma_wait3A_178 = tpu.memref_slice %arg9[%dma_wait3A_177] : memref<224xi32, #tpu.memory_space<vmem>> -> memref<32xi32, #tpu.memory_space<vmem>>
    %dma_wait3A_179 = arith.constant 0 : i32
    %dma_wait3A_180 = tpu.memref_slice %arg3[%dma_wait3A_179] : memref<10485760xf32, #tpu.memory_space<hbm>> -> memref<10485760xf32, #tpu.memory_space<hbm>>
    tpu.wait_indirect_dma semaphore(%arg14 : memref<!tpu.dma_semaphore, #tpu.memory_space<semaphore_mem>>) src(%dma_wait3A_180 : memref<10485760xf32, #tpu.memory_space<hbm>>) dst(%dma_wait3A_176 : memref<32xf32, #tpu.memory_space<vmem>>)
    %broadcast_in_dim3A = arith.constant 0.000000e+00 : f32
    %broadcast_in_dim3A_181 = vector.broadcast %broadcast_in_dim3A : f32 to vector<16xf32>
    %broadcast_in_dim3A_182 = arith.constant 0.000000e+00 : f32
    %broadcast_in_dim3A_183 = vector.broadcast %broadcast_in_dim3A_182 : f32 to vector<16xf32>
    %add3A_184 = arith.constant 0 : i32
    %add3A_185 = vector.broadcast %add3A_184 : i32 to vector<16xi32>
    %add3A_186 = arith.addi %iota3A, %add3A_185 : vector<16xi32>
    %shift_right_logical3A = arith.constant 1 : i32
    %shift_right_logical3A_187 = vector.broadcast %shift_right_logical3A : i32 to vector<16xi32>
    %shift_right_logical3A_188 = arith.shrui %add3A_186, %shift_right_logical3A_187 : vector<16xi32>
    %get3A_189 = arith.constant 96 : index
    %get3A_190 = tpu.vector_load %arg10[%get3A_189] {strides = array<i32>} : memref<224xf32, #tpu.memory_space<vmem>>, vector<16xf32>,
    %get3A_191 = arith.constant 32 : index
    %get3A_192 = tpu.vector_load %arg10[%get3A_191] {strides = array<i32>} : memref<224xf32, #tpu.memory_space<vmem>>, vector<16xf32>,
    %sub3A = arith.subf %get3A_190, %get3A_192 : vector<16xf32>
    %abs3A = math.absf %sub3A : vector<16xf32>
    %lt3A = arith.constant 1.000000e+00 : f32
    %lt3A_193 = vector.broadcast %lt3A : f32 to vector<16xf32>
    %lt3A_194 = arith.cmpf olt, %abs3A, %lt3A_193 : vector<16xf32>
    %mul3A_195 = arith.constant 5.000000e-01 : f32
    %mul3A_196 = vector.broadcast %mul3A_195 : f32 to vector<16xf32>
    %mul3A_197 = arith.mulf %mul3A_196, %abs3A : vector<16xf32>
    %mul3A_198 = arith.mulf %mul3A_197, %abs3A : vector<16xf32>
    %sub3A_199 = arith.constant 5.000000e-01 : f32
    %sub3A_200 = vector.broadcast %sub3A_199 : f32 to vector<16xf32>
    %sub3A_201 = arith.subf %abs3A, %sub3A_200 : vector<16xf32>
    %select_n3A = arith.select %lt3A_194, %mul3A_198, %sub3A_201 : vector<16xi1>, vector<16xf32>
    %add3A_202 = arith.constant 160 : i32
    %add3A_203 = vector.broadcast %add3A_202 : i32 to vector<16xi32>
    %add3A_204 = arith.addi %add3A_203, %shift_right_logical3A_188 : vector<16xi32>
    %gather3A_205 = tpu.vector_load_idx %arg10[%add3A_204] : memref<224xf32, #tpu.memory_space<vmem>>[vector<16xi32>], vector<16xf32>,
    %add3A_206 = arith.constant 1.000000e+00 : f32
    %add3A_207 = vector.broadcast %add3A_206 : f32 to vector<16xf32>
    %add3A_208 = arith.addf %add3A_207, %gather3A_205 : vector<16xf32>
    %add3A_209 = arith.constant 0 : i32
    %add3A_210 = vector.broadcast %add3A_209 : i32 to vector<16xi32>
    %add3A_211 = arith.addi %add3A_210, %shift_right_logical3A_188 : vector<16xi32>
    %gather3A_212 = tpu.vector_load_idx %arg10[%add3A_211] : memref<224xf32, #tpu.memory_space<vmem>>[vector<16xi32>], vector<16xf32>,
    %mul3A_213 = arith.mulf %add3A_208, %add3A_208 : vector<16xf32>
    %mul3A_214 = arith.mulf %mul3A_213, %gather3A_212 : vector<16xf32>
    %mul3A_215 = arith.constant 5.000000e-01 : f32
    %mul3A_216 = vector.broadcast %mul3A_215 : f32 to vector<16xf32>
    %mul3A_217 = arith.mulf %mul3A_214, %mul3A_216 : vector<16xf32>
    %mul3A_218 = arith.mulf %select_n3A, %mul3A_217 : vector<16xf32>
    %add3A_219 = arith.addf %broadcast_in_dim3A_181, %mul3A_218 : vector<16xf32>
    %add3A_220 = arith.constant 16 : i32
    %add3A_221 = vector.broadcast %add3A_220 : i32 to vector<16xi32>
    %add3A_222 = arith.addi %iota3A, %add3A_221 : vector<16xi32>
    %shift_right_logical3A_223 = arith.constant 1 : i32
    %shift_right_logical3A_224 = vector.broadcast %shift_right_logical3A_223 : i32 to vector<16xi32>
    %shift_right_logical3A_225 = arith.shrui %add3A_222, %shift_right_logical3A_224 : vector<16xi32>
    %get3A_226 = arith.constant 112 : index
    %get3A_227 = tpu.vector_load %arg10[%get3A_226] {strides = array<i32>} : memref<224xf32, #tpu.memory_space<vmem>>, vector<16xf32>,
    %get3A_228 = arith.constant 48 : index
    %get3A_229 = tpu.vector_load %arg10[%get3A_228] {strides = array<i32>} : memref<224xf32, #tpu.memory_space<vmem>>, vector<16xf32>,
    %sub3A_230 = arith.subf %get3A_227, %get3A_229 : vector<16xf32>
    %abs3A_231 = math.absf %sub3A_230 : vector<16xf32>
    %lt3A_232 = arith.constant 1.000000e+00 : f32
    %lt3A_233 = vector.broadcast %lt3A_232 : f32 to vector<16xf32>
    %lt3A_234 = arith.cmpf olt, %abs3A_231, %lt3A_233 : vector<16xf32>
    %mul3A_235 = arith.constant 5.000000e-01 : f32
    %mul3A_236 = vector.broadcast %mul3A_235 : f32 to vector<16xf32>
    %mul3A_237 = arith.mulf %mul3A_236, %abs3A_231 : vector<16xf32>
    %mul3A_238 = arith.mulf %mul3A_237, %abs3A_231 : vector<16xf32>
    %sub3A_239 = arith.constant 5.000000e-01 : f32
    %sub3A_240 = vector.broadcast %sub3A_239 : f32 to vector<16xf32>
    %sub3A_241 = arith.subf %abs3A_231, %sub3A_240 : vector<16xf32>
    %select_n3A_242 = arith.select %lt3A_234, %mul3A_238, %sub3A_241 : vector<16xi1>, vector<16xf32>
    %add3A_243 = arith.constant 160 : i32
    %add3A_244 = vector.broadcast %add3A_243 : i32 to vector<16xi32>
    %add3A_245 = arith.addi %add3A_244, %shift_right_logical3A_225 : vector<16xi32>
    %gather3A_246 = tpu.vector_load_idx %arg10[%add3A_245] : memref<224xf32, #tpu.memory_space<vmem>>[vector<16xi32>], vector<16xf32>,
    %add3A_247 = arith.constant 1.000000e+00 : f32
    %add3A_248 = vector.broadcast %add3A_247 : f32 to vector<16xf32>
    %add3A_249 = arith.addf %add3A_248, %gather3A_246 : vector<16xf32>
    %add3A_250 = arith.constant 0 : i32
    %add3A_251 = vector.broadcast %add3A_250 : i32 to vector<16xi32>
    %add3A_252 = arith.addi %add3A_251, %shift_right_logical3A_225 : vector<16xi32>
    %gather3A_253 = tpu.vector_load_idx %arg10[%add3A_252] : memref<224xf32, #tpu.memory_space<vmem>>[vector<16xi32>], vector<16xf32>,
    %mul3A_254 = arith.mulf %add3A_249, %add3A_249 : vector<16xf32>
    %mul3A_255 = arith.mulf %mul3A_254, %gather3A_253 : vector<16xf32>
    %mul3A_256 = arith.constant 5.000000e-01 : f32
    %mul3A_257 = vector.broadcast %mul3A_256 : f32 to vector<16xf32>
    %mul3A_258 = arith.mulf %mul3A_255, %mul3A_257 : vector<16xf32>
    %mul3A_259 = arith.mulf %select_n3A_242, %mul3A_258 : vector<16xf32>
    %add3A_260 = arith.addf %add3A_219, %mul3A_259 : vector<16xf32>
    %add3A_261 = arith.constant 32 : i32
    %add3A_262 = vector.broadcast %add3A_261 : i32 to vector<16xi32>
    %add3A_263 = arith.addi %iota3A, %add3A_262 : vector<16xi32>
    %shift_right_logical3A_264 = arith.constant 1 : i32
    %shift_right_logical3A_265 = vector.broadcast %shift_right_logical3A_264 : i32 to vector<16xi32>
    %shift_right_logical3A_266 = arith.shrui %add3A_263, %shift_right_logical3A_265 : vector<16xi32>
    %get3A_267 = arith.constant 128 : index
    %get3A_268 = tpu.vector_load %arg10[%get3A_267] {strides = array<i32>} : memref<224xf32, #tpu.memory_space<vmem>>, vector<16xf32>,
    %get3A_269 = arith.constant 64 : index
    %get3A_270 = tpu.vector_load %arg10[%get3A_269] {strides = array<i32>} : memref<224xf32, #tpu.memory_space<vmem>>, vector<16xf32>,
    %sub3A_271 = arith.subf %get3A_268, %get3A_270 : vector<16xf32>
    %abs3A_272 = math.absf %sub3A_271 : vector<16xf32>
    %lt3A_273 = arith.constant 1.000000e+00 : f32
    %lt3A_274 = vector.broadcast %lt3A_273 : f32 to vector<16xf32>
    %lt3A_275 = arith.cmpf olt, %abs3A_272, %lt3A_274 : vector<16xf32>
    %mul3A_276 = arith.constant 5.000000e-01 : f32
    %mul3A_277 = vector.broadcast %mul3A_276 : f32 to vector<16xf32>
    %mul3A_278 = arith.mulf %mul3A_277, %abs3A_272 : vector<16xf32>
    %mul3A_279 = arith.mulf %mul3A_278, %abs3A_272 : vector<16xf32>
    %sub3A_280 = arith.constant 5.000000e-01 : f32
    %sub3A_281 = vector.broadcast %sub3A_280 : f32 to vector<16xf32>
    %sub3A_282 = arith.subf %abs3A_272, %sub3A_281 : vector<16xf32>
    %select_n3A_283 = arith.select %lt3A_275, %mul3A_279, %sub3A_282 : vector<16xi1>, vector<16xf32>
    %add3A_284 = arith.constant 160 : i32
    %add3A_285 = vector.broadcast %add3A_284 : i32 to vector<16xi32>
    %add3A_286 = arith.addi %add3A_285, %shift_right_logical3A_266 : vector<16xi32>
    %gather3A_287 = tpu.vector_load_idx %arg10[%add3A_286] : memref<224xf32, #tpu.memory_space<vmem>>[vector<16xi32>], vector<16xf32>,
    %add3A_288 = arith.constant 1.000000e+00 : f32
    %add3A_289 = vector.broadcast %add3A_288 : f32 to vector<16xf32>
    %add3A_290 = arith.addf %add3A_289, %gather3A_287 : vector<16xf32>
    %add3A_291 = arith.constant 0 : i32
    %add3A_292 = vector.broadcast %add3A_291 : i32 to vector<16xi32>
    %add3A_293 = arith.addi %add3A_292, %shift_right_logical3A_266 : vector<16xi32>
    %gather3A_294 = tpu.vector_load_idx %arg10[%add3A_293] : memref<224xf32, #tpu.memory_space<vmem>>[vector<16xi32>], vector<16xf32>,
    %mul3A_295 = arith.mulf %add3A_290, %add3A_290 : vector<16xf32>
    %mul3A_296 = arith.mulf %mul3A_295, %gather3A_294 : vector<16xf32>
    %mul3A_297 = arith.constant 5.000000e-01 : f32
    %mul3A_298 = vector.broadcast %mul3A_297 : f32 to vector<16xf32>
    %mul3A_299 = arith.mulf %mul3A_296, %mul3A_298 : vector<16xf32>
    %mul3A_300 = arith.mulf %select_n3A_283, %mul3A_299 : vector<16xf32>
    %add3A_301 = arith.addf %add3A_260, %mul3A_300 : vector<16xf32>
    %add3A_302 = arith.constant 48 : i32
    %add3A_303 = vector.broadcast %add3A_302 : i32 to vector<16xi32>
    %add3A_304 = arith.addi %iota3A, %add3A_303 : vector<16xi32>
    %shift_right_logical3A_305 = arith.constant 1 : i32
    %shift_right_logical3A_306 = vector.broadcast %shift_right_logical3A_305 : i32 to vector<16xi32>
    %shift_right_logical3A_307 = arith.shrui %add3A_304, %shift_right_logical3A_306 : vector<16xi32>
    %get3A_308 = arith.constant 144 : index
    %get3A_309 = tpu.vector_load %arg10[%get3A_308] {strides = array<i32>} : memref<224xf32, #tpu.memory_space<vmem>>, vector<16xf32>,
    %get3A_310 = arith.constant 80 : index
    %get3A_311 = tpu.vector_load %arg10[%get3A_310] {strides = array<i32>} : memref<224xf32, #tpu.memory_space<vmem>>, vector<16xf32>,
    %sub3A_312 = arith.subf %get3A_309, %get3A_311 : vector<16xf32>
    %abs3A_313 = math.absf %sub3A_312 : vector<16xf32>
    %lt3A_314 = arith.constant 1.000000e+00 : f32
    %lt3A_315 = vector.broadcast %lt3A_314 : f32 to vector<16xf32>
    %lt3A_316 = arith.cmpf olt, %abs3A_313, %lt3A_315 : vector<16xf32>
    %mul3A_317 = arith.constant 5.000000e-01 : f32
    %mul3A_318 = vector.broadcast %mul3A_317 : f32 to vector<16xf32>
    %mul3A_319 = arith.mulf %mul3A_318, %abs3A_313 : vector<16xf32>
    %mul3A_320 = arith.mulf %mul3A_319, %abs3A_313 : vector<16xf32>
    %sub3A_321 = arith.constant 5.000000e-01 : f32
    %sub3A_322 = vector.broadcast %sub3A_321 : f32 to vector<16xf32>
    %sub3A_323 = arith.subf %abs3A_313, %sub3A_322 : vector<16xf32>
    %select_n3A_324 = arith.select %lt3A_316, %mul3A_320, %sub3A_323 : vector<16xi1>, vector<16xf32>
    %add3A_325 = arith.constant 160 : i32
    %add3A_326 = vector.broadcast %add3A_325 : i32 to vector<16xi32>
    %add3A_327 = arith.addi %add3A_326, %shift_right_logical3A_307 : vector<16xi32>
    %gather3A_328 = tpu.vector_load_idx %arg10[%add3A_327] : memref<224xf32, #tpu.memory_space<vmem>>[vector<16xi32>], vector<16xf32>,
    %add3A_329 = arith.constant 1.000000e+00 : f32
    %add3A_330 = vector.broadcast %add3A_329 : f32 to vector<16xf32>
    %add3A_331 = arith.addf %add3A_330, %gather3A_328 : vector<16xf32>
    %add3A_332 = arith.constant 0 : i32
    %add3A_333 = vector.broadcast %add3A_332 : i32 to vector<16xi32>
    %add3A_334 = arith.addi %add3A_333, %shift_right_logical3A_307 : vector<16xi32>
    %gather3A_335 = tpu.vector_load_idx %arg10[%add3A_334] : memref<224xf32, #tpu.memory_space<vmem>>[vector<16xi32>], vector<16xf32>,
    %mul3A_336 = arith.mulf %add3A_331, %add3A_331 : vector<16xf32>
    %mul3A_337 = arith.mulf %mul3A_336, %gather3A_335 : vector<16xf32>
    %mul3A_338 = arith.constant 5.000000e-01 : f32
    %mul3A_339 = vector.broadcast %mul3A_338 : f32 to vector<16xf32>
    %mul3A_340 = arith.mulf %mul3A_337, %mul3A_339 : vector<16xf32>
    %mul3A_341 = arith.mulf %select_n3A_324, %mul3A_340 : vector<16xf32>
    %add3A_342 = arith.addf %add3A_301, %mul3A_341 : vector<16xf32>
    %get3A_343 = arith.constant 0 : index
    %get3A_344 = tpu.vector_load %arg10[%get3A_343] {strides = array<i32>} : memref<224xf32, #tpu.memory_space<vmem>>, vector<16xf32>,
    %add3A_345 = arith.addf %broadcast_in_dim3A_183, %get3A_344 : vector<16xf32>
    %get3A_346 = arith.constant 16 : index
    %get3A_347 = tpu.vector_load %arg10[%get3A_346] {strides = array<i32>} : memref<224xf32, #tpu.memory_space<vmem>>, vector<16xf32>,
    %add3A_348 = arith.addf %add3A_345, %get3A_347 : vector<16xf32>
    %swap3A_349 = arith.constant 0 : i32
    %swap3A_350 = arith.index_cast %swap3A_349 : i32 to index
    %swap3A_351 = arith.constant 0 : index
    %swap3A_352 = tpu.vector_load %arg11[%swap3A_350, %swap3A_351] {strides = array<i32>} : memref<2x16xf32, #tpu.memory_space<vmem>>, vector<16xf32>,
    tpu.vector_store %arg11[%swap3A_350, %swap3A_351], %add3A_342 {strides = array<i32>} : memref<2x16xf32, #tpu.memory_space<vmem>>, vector<16xf32>,
    %swap3A_353 = arith.constant 1 : i32
    %swap3A_354 = arith.index_cast %swap3A_353 : i32 to index
    %swap3A_355 = arith.constant 0 : index
    %swap3A_356 = tpu.vector_load %arg11[%swap3A_354, %swap3A_355] {strides = array<i32>} : memref<2x16xf32, #tpu.memory_space<vmem>>, vector<16xf32>,
    tpu.vector_store %arg11[%swap3A_354, %swap3A_355], %add3A_348 {strides = array<i32>} : memref<2x16xf32, #tpu.memory_space<vmem>>, vector<16xf32>,
    "tpu.region"() ({
      %run_scoped3A = tpu.sem_alloc : memref<!tpu.dma_semaphore, #tpu.memory_space<semaphore_mem>>
      %dma_start3A_357 = arith.constant 0 : i32
      %dma_start3A_358 = arith.constant 0 : i32
      %dma_start3A_359 = tpu.memref_slice %arg8[%add3A, %dma_start3A_357, %dma_start3A_358] : memref<32x2x16xf32, #tpu.memory_space<hbm>> -> memref<1x2x16xf32, #tpu.memory_space<hbm>>
      %dma_start3A_360 = tpu.memref_squeeze %dma_start3A_359 : memref<1x2x16xf32, #tpu.memory_space<hbm>> -> memref<2x16xf32, #tpu.memory_space<hbm>>
      %dma_start3A_361 = arith.constant 0 : i32
      %dma_start3A_362 = arith.constant 0 : i32
      %dma_start3A_363 = tpu.memref_slice %arg8[%add3A, %dma_start3A_361, %dma_start3A_362] : memref<32x2x16xf32, #tpu.memory_space<hbm>> -> memref<1x2x16xf32, #tpu.memory_space<hbm>>
      %dma_start3A_364 = tpu.memref_squeeze %dma_start3A_363 : memref<1x2x16xf32, #tpu.memory_space<hbm>> -> memref<2x16xf32, #tpu.memory_space<hbm>>
      tpu.enqueue_dma source(%arg11 : memref<2x16xf32, #tpu.memory_space<vmem>>) target(%dma_start3A_364 : memref<2x16xf32, #tpu.memory_space<hbm>>) target_semaphore(%run_scoped3A : memref<!tpu.dma_semaphore, #tpu.memory_space<semaphore_mem>>)
      %dma_wait3A_365 = arith.constant 0 : i32
      %dma_wait3A_366 = arith.constant 0 : i32
      %dma_wait3A_367 = tpu.memref_slice %arg8[%add3A, %dma_wait3A_365, %dma_wait3A_366] : memref<32x2x16xf32, #tpu.memory_space<hbm>> -> memref<1x2x16xf32, #tpu.memory_space<hbm>>
      %dma_wait3A_368 = tpu.memref_squeeze %dma_wait3A_367 : memref<1x2x16xf32, #tpu.memory_space<hbm>> -> memref<2x16xf32, #tpu.memory_space<hbm>>
      %dma_wait3A_369 = arith.constant 0 : i32
      %dma_wait3A_370 = arith.constant 0 : i32
      %dma_wait3A_371 = tpu.memref_slice %arg8[%add3A, %dma_wait3A_369, %dma_wait3A_370] : memref<32x2x16xf32, #tpu.memory_space<hbm>> -> memref<1x2x16xf32, #tpu.memory_space<hbm>>
      %dma_wait3A_372 = tpu.memref_squeeze %dma_wait3A_371 : memref<1x2x16xf32, #tpu.memory_space<hbm>> -> memref<2x16xf32, #tpu.memory_space<hbm>>
      tpu.wait_dma2 semaphore(%run_scoped3A : memref<!tpu.dma_semaphore, #tpu.memory_space<semaphore_mem>>) src(%arg11 : memref<2x16xf32, #tpu.memory_space<vmem>>) dst(%dma_wait3A_372 : memref<2x16xf32, #tpu.memory_space<hbm>>)
      tpu.yield
    }) : () -> ()
    return
  }
}

module attributes {stable_mosaic.version = 14 : i64} {
  func.func @_tc_finish_kernel(%arg0: memref<32x2x16xf32, #tpu.memory_space<vmem>>, %arg1: memref<1x1xf32, #tpu.memory_space<vmem>>) attributes {dimension_semantics = [], scalar_prefetch = 0 : i64, scratch_operands = 0 : i64, tpu.core_type = #tpu.core_type<tc>} {
    %get3A = arith.constant 0 : index
    %get3A_0 = arith.constant 0 : index
    %get3A_1 = arith.constant 0 : index
    %get3A_2 = vector.load %arg0[%get3A, %get3A_0, %get3A_1] : memref<32x2x16xf32, #tpu.memory_space<vmem>>, vector<32x2x16xf32>
    %slice3A = vector.extract_strided_slice %get3A_2 {offsets = [0, 0, 0], sizes = [32, 1, 16], strides = [1, 1, 1]} : vector<32x2x16xf32> to vector<32x1x16xf32>
    %squeeze3A = vector.shape_cast %slice3A : vector<32x1x16xf32> to vector<32x16xf32>
    %reduce_sum3A = vector.shape_cast %squeeze3A : vector<32x16xf32> to vector<1x32x16xf32>
    %reduce_sum3A_3 = arith.constant dense<0.000000e+00> : vector<1xf32>
    %reduce_sum3A_4 = vector.multi_reduction <add>, %reduce_sum3A, %reduce_sum3A_3 [1, 2] : vector<1x32x16xf32> to vector<1xf32>
    %reduce_sum3A_5 = vector.shape_cast %reduce_sum3A_4 : vector<1xf32> to vector<1x1x1xf32>
    %reduce_sum3A_6 = vector.extract %reduce_sum3A_5[0, 0, 0] : f32 from vector<1x1x1xf32>
    %slice3A_7 = vector.extract_strided_slice %get3A_2 {offsets = [0, 1, 0], sizes = [32, 1, 16], strides = [1, 1, 1]} : vector<32x2x16xf32> to vector<32x1x16xf32>
    %squeeze3A_8 = vector.shape_cast %slice3A_7 : vector<32x1x16xf32> to vector<32x16xf32>
    %reduce_sum3A_9 = vector.shape_cast %squeeze3A_8 : vector<32x16xf32> to vector<1x32x16xf32>
    %reduce_sum3A_10 = arith.constant dense<0.000000e+00> : vector<1xf32>
    %reduce_sum3A_11 = vector.multi_reduction <add>, %reduce_sum3A_9, %reduce_sum3A_10 [1, 2] : vector<1x32x16xf32> to vector<1xf32>
    %reduce_sum3A_12 = vector.shape_cast %reduce_sum3A_11 : vector<1xf32> to vector<1x1x1xf32>
    %reduce_sum3A_13 = vector.extract %reduce_sum3A_12[0, 0, 0] : f32 from vector<1x1x1xf32>
    %div3A = arith.divf %reduce_sum3A_6, %reduce_sum3A_13 : f32
    %broadcast_in_dim3A = vector.broadcast %div3A : f32 to vector<1x1xf32>
    %swap3A = arith.constant 0 : index
    %swap3A_14 = arith.constant 0 : index
    %swap3A_15 = vector.load %arg1[%swap3A, %swap3A_14] : memref<1x1xf32, #tpu.memory_space<vmem>>, vector<1x1xf32>
    tpu.vector_store %arg1[%swap3A, %swap3A_14], %broadcast_in_dim3A {strides = array<i32>} : memref<1x1xf32, #tpu.memory_space<vmem>>, vector<1x1xf32>,
    return
  }
}

</mosaic_0001>

<sc_bundles>
// kernel: kernel.4.cloned.1.call-start
scs
__scs_entry_jumppad:
0x0: {  	(pc) =	sbr.rel $0x88, $3  }
0x1: {  	(tag) =	ssettag $0x0;
	lr =	simm.s32 $0x1  }
0x2: {  	[smem:$0x3F9B] =	sst lr;
	_ =	strace $0xD0000000  }
0x3: {  	_ = 	snop  }
0x4: {  	_ = 	snop  }
0x5: {  	_ = 	snop  }
0x6: {  	_ = 	snop  }
0x7: {  	_ = 	snop  }
__scs_overlays_trampoline_lowered:
0x8: {  	[smem:$0x3FAA] =	sst s0  }
0x9: {  	[smem:$0x3FAB] =	sst s1  }
0xa: {  	[smem:$0x3FAC] =	sst s2  }
0xb: {  	[smem:$0x3FAD] =	sst s3  }
0xc: {  	[smem:$0x3FAE] =	sst s4  }
0xd: {  	[smem:$0x3FAF] =	sst s5  }
0xe: {  	[smem:$0x3FB0] =	sst s6  }
0xf: {  	[smem:$0x3FB1] =	sst s7  }
0x10: {  	[smem:$0x3FB2] =	sst s8  }
0x11: {  	[smem:$0x3FB3] =	sst s9;
	s0 =	simm.s32 @!p0 $0x0  }
0x12: {  	s1 =	sld [smem:$0x3F99];
	s0 =	simm.s32 @p0 $0x1  }
0x13: {  	[smem:$0x3FB4] =	sst s0;
	s0 =	simm.s32 @!p1 $0x0  }
0x14: {  	s2 =	sld [smem:$0x3F98];
	s0 =	simm.s32 @p1 $0x1  }
0x15: {  	[smem:$0x3FB5] =	sst s0;
	s0 =	simm.s32 @!p2 $0x0  }
0x16: {  	s3 =	sld [smem:$0x3FDB];
	s0 =	simm.s32 @p2 $0x1  }
0x17: {  	s4 =	simm.s32 $0x1BF5;
	[smem:$0x3FB7] =	sst s0  }
0x18: {  	s0 =	sld [smem:$0x3F9A];
	_ =	swait.ge [sflag:s4], $0x0  }
0x19: {  	s7 =	sld [smem:$0x3F9B]  }
0x1a: {  	s8 =	sadd.s32 $0xFFFFE003, lr  }
0x1b: {  	s9 =	sadd.s32 $0xFFFFFEF7, lr;
	s5 =	simm.s32 $0xFFFFFFFF;
	p2 =	slt.u32 s8, $0xFFFFF086  }
0x1c: {  	p1 =	slt.u32 s9, $0xF7A;
	s5 =	simm.s32 @!p2 $0x0  }
0x1d: {  	s5 =	simm.s32 @p1 $0x1;
	p0 =	seq.s32 s7, s2  }
0x1e: {  	s7 =	smul.u32 @!p0 $0xF7A, s2;
	p2 =	seq.s32 @!p0 s5, $0x0  }
0x1f: {  	s9 =	smul.u32 $0xF7A, s1;
	s8 =	simm.s32 @!p0 $0x1BF5;
	p2 =	por !p2, p0  }
0x20: {  	[sflag:s8] =	ssyncset.s32 @!p0 $0xFFFFF086;
	s6 =	sadd.s32 @!p0 s3, s7;
	s7 =	simm.s32 @!p0 $0x108  }
0x21: {  	s3 =	sadd.s32 s3, s9;
	s6 =	sadd.s32 @!p0 $0x88, s6;
	s7 =	simm.s32 @p2 $0x1082  }
0x22: {  	[simem:s7], [sflag:s8] =	dma.local @!p0 [hbm:s6], $0xF7A  }
0x23: {  	s9 =	sor.u32 $0xD0000000, s2;
	s6 =	simm.s32 $0x108;
	_ =	swait.ge @!p0 [sflag:s8], $0x0  }
0x24: {  	s3 =	sadd.s32 $0x88, s3;
	s6 =	simm.s32 @!p1 $0x1082;
	[sflag:s4] =	ssyncset.s32 $0xFFFFF086  }
0x25: {  	[simem:s6], [sflag:s4] =	dma.local [hbm:s3], $0xF7A  }
0x26: {  	[smem:$0x3F9B] =	sst s1;
	(tag) =	ssettag s2;
	_ =	strace s9  }
0x27: {  	s1 =	sld [smem:$0x3FAB]  }
0x28: {  	s2 =	sld [smem:$0x3FAC]  }
0x29: {  	s4 =	sld [smem:$0x3FAE]  }
0x2a: {  	p0 =	seq.s32 s5, $0x0;
	s5 =	sld [smem:$0x3FAF]  }
0x2b: {  	s6 =	sld [smem:$0x3FB0]  }
0x2c: {  	s7 =	sld [smem:$0x3FB1]  }
0x2d: {  	s3 =	simm.s32 $0x108;
	s8 =	sld [smem:$0x3FB2]  }
0x2e: {  	s3 =	simm.s32 @!p0 $0x1082;
	s9 =	sld [smem:$0x3FB3]  }
0x2f: {  	lr =	sadd.s32 s0, s3;
	s0 =	sld [smem:$0x3FAA]  }
0x30: {  	s3 =	sld [smem:$0x3FAD]  }
0x31: {  	[smem:$0x3FB6] =	sst s10  }
0x32: {  	s10 =	sld [smem:$0x3FB4];
	_ =	sdelay $0x3  }
0x33: {  	p0 =	seq.s32 s10, $0x1;
	s10 =	sld [smem:$0x3FB6];
	_ =	sdelay $0x3  }
0x34: {  	[smem:$0x3FB6] =	sst s10  }
0x35: {  	s10 =	sld [smem:$0x3FB5];
	_ =	sdelay $0x3  }
0x36: {  	p1 =	seq.s32 s10, $0x1;
	s10 =	sld [smem:$0x3FB6];
	_ =	sdelay $0x3  }
0x37: {  	[smem:$0x3FB6] =	sst s10  }
0x38: {  	s10 =	sld [smem:$0x3FB7]  }
0x39: {  	_ = 	snop;
	(pc) =	sbr.ind lr, $3  }
0x3a: {  	_ = 	snop  }
0x3b: {  	_ = 	snop  }
0x3c: {  	p2 =	seq.s32 s10, $0x1;
	s10 =	sld [smem:$0x3FB6]  }
0x3d: {  	_ =	shalt  }
0x3e: {  	_ =	shalt  }
0x3f: {  	_ =	shalt  }
0x40: {  	_ =	shalt  }
0x41: {  	_ =	shalt  }
0x42: {  	_ =	shalt  }
0x43: {  	_ =	shalt  }
0x44: {  	_ =	shalt  }
0x45: {  	_ =	shalt  }
0x46: {  	_ =	shalt  }
0x47: {  	_ =	shalt  }
0x48: {  	_ =	shalt  }
0x49: {  	_ =	shalt  }
0x4a: {  	_ =	shalt  }
0x4b: {  	_ =	shalt  }
0x4c: {  	_ =	shalt  }
0x4d: {  	_ =	shalt  }
0x4e: {  	_ =	shalt  }
0x4f: {  	_ =	shalt  }
0x50: {  	_ =	shalt  }
0x51: {  	_ =	shalt  }
0x52: {  	_ =	shalt  }
0x53: {  	_ =	shalt  }
0x54: {  	_ =	shalt  }
0x55: {  	_ =	shalt  }
0x56: {  	_ =	shalt  }
0x57: {  	_ =	shalt  }
0x58: {  	_ =	shalt  }
0x59: {  	_ =	shalt  }
0x5a: {  	_ =	shalt  }
0x5b: {  	_ =	shalt  }
0x5c: {  	_ =	shalt  }
0x5d: {  	_ =	shalt  }
0x5e: {  	_ =	shalt  }
0x5f: {  	_ =	shalt  }
0x60: {  	_ =	shalt  }
0x61: {  	_ =	shalt  }
0x62: {  	_ =	shalt  }
0x63: {  	_ =	shalt  }
0x64: {  	_ =	shalt  }
0x65: {  	_ =	shalt  }
0x66: {  	_ =	shalt  }
0x67: {  	_ =	shalt  }
0x68: {  	_ =	shalt  }
0x69: {  	_ =	shalt  }
0x6a: {  	_ =	shalt  }
0x6b: {  	_ =	shalt  }
0x6c: {  	_ =	shalt  }
0x6d: {  	_ =	shalt  }
0x6e: {  	_ =	shalt  }
0x6f: {  	_ =	shalt  }
0x70: {  	_ =	shalt  }
0x71: {  	_ =	shalt  }
0x72: {  	_ =	shalt  }
0x73: {  	_ =	shalt  }
0x74: {  	_ =	shalt  }
0x75: {  	_ =	shalt  }
0x76: {  	_ =	shalt  }
0x77: {  	_ =	shalt  }
0x78: {  	_ =	shalt  }
0x79: {  	_ =	shalt  }
0x7a: {  	_ =	shalt  }
0x7b: {  	_ =	shalt  }
0x7c: {  	_ =	shalt  }
0x7d: {  	_ =	shalt  }
0x7e: {  	_ =	shalt  }
0x7f: {  	_ =	shalt  }
0x80: {  	_ =	shalt  }
0x81: {  	_ =	shalt  }
0x82: {  	_ =	shalt  }
0x83: {  	_ =	shalt  }
0x84: {  	_ =	shalt  }
0x85: {  	_ =	shalt  }
0x86: {  	_ =	shalt  }
0x87: {  	_ =	shalt  }
.Lfunc_end0:
.L_simem_size_0:
called_computation_lowered:
.L_overlay_start_0:
0x88: {  	s2 =	sld [smem:$0x3FD9]  }
0x89: {  	s3 =	sld [smem:$0x3FFE];
	_ =	sdelay $0x1  }
0x8a: {  	s1 =	srdreg.scid  }
0x8b: {  	s0 =	sand.u32 $0x1, s1  }
0x8c: {  	s17 =	sshll.u32 s0, $0xA;
	s2 =	sadd.s32 s3, s2  }
0x8d: {  	s2 =	sadd.s32 s2, s17  }
0x8e: {  	[smem:$0x3FC2] =	sst s2  }
0x8f: {  	_ = 	snop  }
0x90: {  	s2 =	sld [smem:$0x3FC9]  }
0x91: {  	s18 =	sld [smem:$0x3FC8]  }
0x92: {  	s4 =	sld [smem:$0x3FC7]  }
0x93: {  	s5 =	sld [smem:$0x3FC4];
	(tm) =	ssettm $0x1  }
0x94: {  	s6 =	sld [smem:$0x3FFB];
	_ =	sdelay $0x3  }
0x95: {  	_ =	strace s6  }
0x96: {  	s6 =	sld [smem:$0x3FFC];
	_ =	sdelay $0x3  }
0x97: {  	_ =	strace s6  }
0x98: {  	s6 =	sld [smem:$0x3FFD];
	_ =	sdelay $0x3  }
0x99: {  	_ =	strace s6  }
0x9a: {  	_ =	strace $0x8FFFFFFF  }
0x9b: {  	s19 =	sld [smem:$0x3FDB];
	_ =	sdelay $0x1  }
0x9c: {  	s7 =	simm.s32 $_scs_section_size  }
0x9d: {  	s8 =	simm.s32 $_size__tile_overlayer_lowered;
	s9 =	simm.s32 $_tile_overlayer_lowered  }
0x9e: {  	s22 =	simm.s32 $0x1BFF;
	s21 =	sshll.u32 s9, $0x1;
	s6 =	sadd.s32 s7, s19  }
0x9f: {  	s10 =	simm.s32 $0x0;
	s20 =	sshll.u32 s8, $0x1;
	s8 =	sadd.s32 s21, s6  }
0xa0: {  	[timem:s10], [sflag:s22] =	dma.local [hbm:s8], s20  }
0xa1: {  	_ =	swait.ge [sflag:s22], s20  }
0xa2: {  	s7 =	ssub.s32 $0x0, s20;
	[sflag:s22] =	ssyncset.done $0x0  }
0xa3: {  	[sflag:s22] =	ssyncadd.s32 s7;
	_ =	sdelay $0x1  }
0xa4: {  	s23 =	simm.s32 $0x1B8B  }
0xa5: {  	_ =	swait.ge [sflag:s23], $0x1  }
0xa6: {  	[sflag:s23] =	ssyncset.done $0x0  }
0xa7: {  	s25 =	simm.s32 $0x1B8E;
	s24 =	sld [smem:$0x3FFE];
	[sflag:s23] =	ssyncadd.s32 $0xFFFFFFFF  }
0xa8: {  	s26 =	simm.s32 $execute0_lowered;
	[smem:$0x3FD2] =	sst s25  }
0xa9: {  	s8 =	sshll.u32 s26, $0x1;
	_ =	strace $0x80000046;
	[dreg:$0x1] =	wrdreg $0xFFFFFFFF  }
0xaa: {  	s28 =	simm.s32 $_size_execute0_lowered;
	s6 =	sadd.s32 s6, s8;
	[dreg:$0x0] =	wrdreg $0x0  }
0xab: {  	s8 =	sshll.u32 s28, $0x1;
	[dreg:$0x2] =	wrdreg s6  }
0xac: {  	[dreg:$0x3] =	wrdreg s8  }
0xad: {  	[dreg:$0x4] =	wrdreg $0xC0  }
0xae: {  	_ =	task [dreg:s10], $0x5FFFF  }
0xaf: {  	[dreg:$0x1] =	wrdreg $0xFFFFFFFF  }
0xb0: {  	[dreg:$0x0] =	wrdreg $0x60  }
0xb1: {  	[dreg:$0x2] =	wrdreg s2  }
0xb2: {  	[dreg:$0x3] =	wrdreg s5  }
0xb3: {  	[dreg:$0x4] =	wrdreg s4  }
0xb4: {  	[dreg:$0x5] =	wrdreg s24  }
0xb5: {  	[dreg:$0x6] =	wrdreg s18  }
0xb6: {  	[dreg:$0x7] =	wrdreg $0x9  }
0xb7: {  	_ =	task.clear_ibuf [dreg:s10], $0x8FFFF;
	_ =	strace $0x90000046  }
0xb8: {  	s29 =	simm.s32 $0x9;
	_ =	strace $0x80000048  }
0xb9: {  	_ =	swait.ge [sflag:s29], $0x1  }
0xba: {  	[sflag:s29] =	ssyncadd.s32 $0xFFFFFFFF  }
0xbb: {  	_ =	strace $0x90000048  }
0xbc: {  	_ =	sfence  }
0xbd: {  	s30 =	sld [smem:$0x0];
	_ =	sdelay $0x2  }
0xbe: {  	s31 =	sshll.u32 s1, $0xD;
	s1 =	sshrl.u32 s1, $0x2  }
0xbf: {  	s3 =	sand.u32 $0x4000, s31;
	s1 =	sadd.s32 s1, s30  }
0xc0: {  	s0 =	sor.u32 s3, s0;
	s1 =	sshll.u32 s1, $0x11  }
0xc1: {  	s0 =	sor.u32 s1, s0  }
0xc2: {  	s0 =	sadd.s32 $0x8F2B, s0  }
0xc3: {  	[sflag:s0] =	ssyncadd.remote.s32 $0x1  }
0xc4: {  	_ =	sfence.sel $0xFFFF  }
0xc5: {  	[dreg:$0x0] =	wrdreg $0xFFFFFFFF;
	(pc) =	sbr.abs _section_cstart, $3  }
0xc6: {  	[dreg:$0x1] =	wrdreg $0xFFFFFFFF  }
0xc7: {  	_ =	task.clear_ibuf [dreg:s10], $0x2FFFF;
	_ =	strace $0x9FFFFFFF  }
0xc8: {  	(tm) =	ssettm $0x7FFFFFFF  }
0xc9: {  	_ =	shalt  }
tec
execute0_lowered:
.L_overlay_start_1:
0x0: {  	(tag) =	ssettag $0x1  }
0x1: {  	s3 =	rddreg [dreg:$0x0]  }
0x2: {  	s4 =	rddreg [dreg:$0x1];
	s0 =	srdreg.scid  }
0x3: {  	s5 =	rddreg [dreg:$0x2];
	s22 =	sand.u32 $0x1, s0  }
0x4: {  	s20 =	rddreg [dreg:$0x3];
	s0 =	stileid.u32;
	s1 =	sshll.u32 s22, $0x4  }
0x5: {  	s8 =	rddreg [dreg:$0x4];
	s2 =	simm.s32 $0x0;
	s21 =	sor.u32 s0, s1  }
0x6: {  	[smem:$0x7FF] =	sst s2;
	s6 =	smul.u32 $0xC, s21  }
0x7: {  	s1 =	rddreg [dreg:$0x5];
	s9 =	sshll.u32 s21, $0x2  }
0x8: {  	_ =	strace $0x80000047;
	s5 =	sadd.s32 s5, s9;
	s6 =	sadd.s32 s6, s20  }
0x9: {  	[tilespmem:s2], [sflag:$0x1] =	stream.linear.gather [hbm4b:s5+s2], $0x20, $0x38;
	[tilespmem:$0x300] =	vst v63  }
0xa: {  	s7 =	simm.s32 $0x20;
	s10 =	sshll.u32 s21, $0x3;
	s6 =	sadd.s32 $0x800, s6  }
0xb: {  	[tilespmem:s7], [sflag:$0x2] =	stream.linear.gather [hbm4b:s6+s2], $0x60, $0x38;
	[tilespmem:$0x300] =	vst v63  }
0xc: {  	s10 =	sadd.s32 s10, s20;
	s8 =	sadd.s32 s8, s9;
	s9 =	simm.s32 $0x100  }
0xd: {  	[tilespmem:s9], [sflag:$0x3] =	stream.linear.gather [hbm4b:s8+s2], $0x20, $0x38;
	[tilespmem:$0x300] =	vst v63  }
0xe: {  	s11 =	simm.s32 $0x120;
	s12 =	simm.s32 $0x1;
	s10 =	sadd.s32 $0x600, s10  }
0xf: {  	[tilespmem:s11], [sflag:$0x3] =	stream.linear.gather [hbm4b:s10+s2], $0x40, $0x38;
	[tilespmem:$0x300] =	vst v63  }
0x10: {  	_ =	swait.ge [sflag:s12], $0x20  }
0x11: {  	v13 =	vlaneseq.u32;
	[sflag:s12] =	ssyncset.done $0x0  }
0x12: {  	v5 =	vmul.u32 $0x2, v13;
	[sflag:s12] =	ssyncadd.s32 $0xFFFFFFE0  }
0x13: {  	v4 =	vld [tilespmem:$0x0]  }
0x14: {  	v0 =	vor.u32 $0x80, v5  }
0x15: {  	v1 =	vor.u32 $0x81, v5;
	s17 =	sshrl.u32 s21, $0x2  }
0x16: {  	s13 =	sshll.u32 s17, $0xF  }
0x17: {  	v2 =	vmov s13  }
0x18: {  	v3 =	vor.u32 $0x4000, v2;
	v6 =	vadd.s32 v2, v4  }
0x19: {  	v4 =	vadd.s32 v3, v4;
	[tilespmem:v0+s2+$0x0] =	vst.idx.msk $0xffff, v6  }
0x1a: {  	[tilespmem:v1+s2+$0x0] =	vst.idx.msk $0xffff, v4  }
0x1b: {  	v6 =	vld [tilespmem:$0x10]  }
0x1c: {  	v4 =	vor.u32 $0xA0, v5  }
0x1d: {  	v5 =	vor.u32 $0xA1, v5;
	_ =	sdelay $0x2  }
0x1e: {  	v12 =	vmul.u32 $0x3, v13;
	v7 =	vadd.s32 v2, v6  }
0x1f: {  	s14 =	simm.s32 $0x80;
	v8 =	vadd.s32 v3, v6;
	[tilespmem:v4+s2+$0x0] =	vst.idx.msk $0xffff, v7  }
0x20: {  	s15 =	simm.s32 $0x160;
	s16 =	simm.s32 $0x2;
	s13 =	simm.s32 $0x40;
	v6 =	vadd.s32 $0x20, v12;
	[tilespmem:v5+s2+$0x0] =	vst.idx.msk $0xffff, v8  }
0x21: {  	v7 =	vadd.s32 $0x21, v12;
	[tilespmem:s15], [sflag:$0x3] =	stream.indirect.gather [hbm4b:s3+s13], $0x1, s14, s13, $0xb8;
	[tilespmem:$0x300] =	vst v63  }
0x22: {  	_ =	swait.ge [sflag:s16], $0x60  }
0x23: {  	v8 =	vadd.s32 $0x22, v12;
	[sflag:s16] =	ssyncset.done $0x0  }
0x24: {  	[sflag:s16] =	ssyncadd.s32 $0xFFFFFFA0  }
0x25: {  	v11 =	vld.idx.msk [tilespmem:v6+s2+$0x0], $0xffff  }
0x26: {  	v14 =	vld.idx.msk [tilespmem:v7+s2+$0x0], $0xffff;
	_ =	sdelay $0x1  }
0x27: {  	s17 =	smul.u32 $0x140000, s17;
	v15 =	vld.idx.msk [tilespmem:v8+s2+$0x0], $0xffff;
	_ =	sdelay $0x1  }
0x28: {  	v10 =	vadd.s32 $0x50, v12;
	v9 =	vmov s17;
	v16 =	vshll.u32 v11, $0xE  }
0x29: {  	v11 =	vadd.s32 $0x51, v12;
	v14 =	vshll.u32 v14, $0x7;
	v16 =	vadd.s32 v9, v16  }
0x2a: {  	v14 =	vadd.s32 v14, v16  }
0x2b: {  	v12 =	vadd.s32 $0x52, v12;
	v14 =	vadd.s32 v15, v14  }
0x2c: {  	[tilespmem:$0xC0] =	vst v14  }
0x2d: {  	v14 =	vld.idx.msk [tilespmem:v10+s2+$0x0], $0xffff  }
0x2e: {  	v15 =	vld.idx.msk [tilespmem:v11+s2+$0x0], $0xffff;
	_ =	sdelay $0x1  }
0x2f: {  	v16 =	vld.idx.msk [tilespmem:v12+s2+$0x0], $0xffff;
	_ =	sdelay $0x1  }
0x30: {  	v14 =	vshll.u32 v14, $0xE  }
0x31: {  	v15 =	vshll.u32 v15, $0x7;
	v14 =	vadd.s32 v9, v14  }
0x32: {  	v14 =	vadd.s32 v15, v14  }
0x33: {  	v14 =	vadd.s32 v16, v14  }
0x34: {  	s18 =	simm.s32 $0x1A0;
	s19 =	simm.s32 $0x3;
	s17 =	simm.s32 $0xC0;
	[tilespmem:$0xD0] =	vst v14  }
0x35: {  	[tilespmem:s18], [sflag:$0x3] =	stream.indirect.gather [hbm4b:s4+s7], $0x1, s17, s7, $0xb8;
	[tilespmem:$0x300] =	vst v63  }
0x36: {  	_ =	swait.ge [sflag:s19], $0x20  }
0x37: {  	[sflag:s19] =	ssyncset.done $0x0  }
0x38: {  	[sflag:s19] =	ssyncadd.s32 $0xFFFFFFE0  }
0x39: {  	_ =	swait.ge [sflag:s19], $0x40  }
0x3a: {  	[sflag:s19] =	ssyncset.done $0x0  }
0x3b: {  	[sflag:s19] =	ssyncadd.s32 $0xFFFFFFC0  }
0x3c: {  	_ =	swait.ge [sflag:s19], $0x40  }
0x3d: {  	[sflag:s19] =	ssyncset.done $0x0  }
0x3e: {  	[sflag:s19] =	ssyncadd.s32 $0xFFFFFFC0  }
0x3f: {  	_ =	swait.ge [sflag:s19], $0x20  }
0x40: {  	[sflag:s19] =	ssyncset.done $0x0  }
0x41: {  	[sflag:s19] =	ssyncadd.s32 $0xFFFFFFE0  }
0x42: {  	v17 =	vld [tilespmem:$0x180]  }
0x43: {  	v21 =	vld [tilespmem:$0x150]  }
0x44: {  	v22 =	vld [tilespmem:$0x170]  }
0x45: {  	v13 =	vshrl.u32 v13, $0x1;
	v24 =	vld [tilespmem:$0x100]  }
0x46: {  	v19 =	vor.u32 $0xB8, v13;
	v18 =	vld [tilespmem:$0x140]  }
0x47: {  	v14 =	vor.u32 $0xA0, v13;
	v25 =	vld [tilespmem:$0x190]  }
0x48: {  	v23 =	vld [tilespmem:$0x130]  }
0x49: {  	v26 =	vld [tilespmem:$0x160]  }
0x4a: {  	v15 =	vor.u32 $0xA8, v13;
	v27 =	vld [tilespmem:$0x120]  }
0x4b: {  	v35 =	vld.idx.msk [tilespmem:v19+s9+$0x0], $0xffff  }
0x4c: {  	v16 =	vor.u32 $0xB0, v13;
	v28 =	vld.idx.msk [tilespmem:v14+s9+$0x0], $0xffff  }
0x4d: {  	v20 =	vor.u32 $0x18, v13;
	v30 =	vld [tilespmem:$0x110];
	v29 =	vsub.f32 v17, v18;
	v17 =	vor.u32 $0x8, v13  }
0x4e: {  	v18 =	vor.u32 $0x10, v13;
	v22 =	vsub.f32 v22, v23;
	v25 =	vsub.f32 v25, v21  }
0x4f: {  	v31 =	vld.idx.msk [tilespmem:v15+s9+$0x0], $0xffff;
	v33 =	vadd.f32 $0.0e+00, v24;
	v26 =	vsub.f32 v26, v27;
	v23 =	vand.u32 $0x7FFFFFFF, v29  }
0x50: {  	v32 =	vld.idx.msk [tilespmem:v13+s9+$0x0], $0xffff;
	v35 =	vadd.f32 $1.000000000e+00, v35;
	v34 =	vand.u32 $0x7FFFFFFF, v22;
	v29 =	vmul.f32 $5.000000000e-01, v23  }
0x51: {  	s22 =	ssub.s32 $0x2, s22;
	v22 =	vand.u32 $0x7FFFFFFF, v25;
	v25 =	vadd.f32 $1.000000000e+00, v28;
	v28 =	vld.idx.msk [tilespmem:v16+s9+$0x0], $0xffff;
	v26 =	vand.u32 $0x7FFFFFFF, v26  }
0x52: {  	s23 =	sshrl.u32 s22, $0x1;
	v30 =	vadd.f32 v30, v33;
	v24 =	vmul.f32 v29, v23;
	v29 =	vmul.f32 $5.000000000e-01, v22  }
0x53: {  	s22 =	ssub.s32 s22, s23;
	v21 =	vadd.f32 $-5.000000000e-01, v23;
	v27 =	vmul.f32 $5.000000000e-01, v34;
	v36 =	vmul.f32 v25, v25;
	v37 =	vld.idx.msk [tilespmem:v17+s9+$0x0], $0xffff  }
0x54: {  	s23 =	smax.u32 s22, $0x1;
	v60 =	vmul.f32 $5.000000000e-01, v26;
	v25 =	vmul.f32 v29, v22;
	v29 =	vadd.f32 $1.000000000e+00, v31  }
0x55: {  	p0 =	sne.s32 s23, $0x1;
	v61 =	vadd.f32 $-5.000000000e-01, v26;
	vm0 =	vlt.f32 v26, $1.000000000e+00;
	v32 =	vmul.f32 v36, v32;
	v31 =	vld.idx.msk [tilespmem:v18+s9+$0x0], $0xffff  }
.Ltmp0:
0x56: {  	v33 =	vmul.f32 v60, v26;
	v26 =	vld.idx.msk [tilespmem:v20+s9+$0x0], $0xffff;
	v28 =	vadd.f32 $1.000000000e+00, v28;
	v29 =	vmul.f32 v29, v29;
	(pc) =	sbr.rel @!p0 .LBB2_2-.Ltmp0, $4  }
0x57: {  	v38 =	vadd.f32 $-5.000000000e-01, v34;
	v27 =	vmul.f32 v27, v34;
	v32 =	vmul.f32 $5.000000000e-01, v32  }
0x58: {  	s21 =	sshll.u32 s21, $0x5;
	v33 =	vsel vm0, v33, v61;
	v63 =	vmul.f32 v28, v28;
	v62 =	vmul.f32 v29, v37  }
0x59: {  	s22 =	simm.s32 $0x200;
	s20 =	sadd.s32 s21, s20;
	vm15 =	vlt.f32 v34, $1.000000000e+00;
	v28 =	vmul.f32 v32, v33;
	v29 =	vmul.f32 v35, v35  }
0x5a: {  	s21 =	simm.s32 $0x4;
	s23 =	sadd.s32 $0xFFFFFFFF, s23;
	s20 =	sadd.s32 $0xA00, s20;
	v27 =	vsel vm15, v27, v38;
	[tilespmem:$0x280] =	vst v30;
	v31 =	vmul.f32 v63, v31;
	v30 =	vmul.f32 $5.000000000e-01, v62  }
.LBB2_1:
0x5b: {  	p0 =	sne.s32 s23, $0x1;
	s23 =	sadd.s32 $0xFFFFFFFF, s23;
	vm0 =	vlt.f32 v23, $1.000000000e+00;
	v23 =	vmul.f32 v29, v26  }
0x5c: {  	v26 =	vadd.f32 $0.0e+00, v28;
	v27 =	vmul.f32 v30, v27;
	v28 =	vmul.f32 $5.000000000e-01, v31  }
0x5d: {  	v21 =	vsel vm0, v24, v21;
	v24 =	vadd.f32 $-5.000000000e-01, v22;
	v23 =	vmul.f32 $5.000000000e-01, v23  }
0x5e: {  	vm0 =	vlt.f32 v22, $1.000000000e+00;
	v26 =	vadd.f32 v27, v26;
	v21 =	vmul.f32 v28, v21  }
0x5f: {  	v22 =	vsel vm0, v25, v24  }
0x60: {  	v22 =	vmul.f32 v23, v22;
	v21 =	vadd.f32 v21, v26;
	_ =	sdelay $0x1  }
0x61: {  	v21 =	vadd.f32 v22, v21;
	_ =	sdelay $0x1  }
0x62: {  	[tilespmem:$0x200] =	vst v21  }
0x63: {  	[hbm4b:s20+s2] =	stream.linear.scatter [tilespmem:s22], [sflag:$0x4], $0x100, $0x38;
	[tilespmem:$0x300] =	vst v63  }
0x64: {  	_ =	swait.ge [sflag:s21], $0x100  }
0x65: {  	[sflag:s21] =	ssyncset.done $0x0  }
0x66: {  	[sflag:s21] =	ssyncadd.s32 $0xFFFFFF00  }
0x67: {  	[tilespmem:s2], [sflag:$0x1] =	stream.linear.gather [hbm4b:s5+s2], $0x20, $0x38;
	[tilespmem:$0x300] =	vst v63  }
0x68: {  	_ = 	snop  }
0x69: {  	[tilespmem:s7], [sflag:$0x2] =	stream.linear.gather [hbm4b:s6+s2], $0x60, $0x38;
	[tilespmem:$0x300] =	vst v63  }
0x6a: {  	_ = 	snop  }
0x6b: {  	[tilespmem:s9], [sflag:$0x3] =	stream.linear.gather [hbm4b:s8+s2], $0x20, $0x38;
	[tilespmem:$0x300] =	vst v63  }
0x6c: {  	_ = 	snop  }
0x6d: {  	[tilespmem:s11], [sflag:$0x3] =	stream.linear.gather [hbm4b:s10+s2], $0x40, $0x38;
	[tilespmem:$0x300] =	vst v63  }
0x6e: {  	_ =	swait.ge [sflag:s12], $0x20  }
0x6f: {  	[sflag:s12] =	ssyncset.done $0x0  }
0x70: {  	[sflag:s12] =	ssyncadd.s32 $0xFFFFFFE0  }
0x71: {  	v21 =	vld [tilespmem:$0x0];
	_ =	sdelay $0x4  }
0x72: {  	v22 =	vadd.s32 v2, v21;
	v21 =	vadd.s32 v3, v21  }
0x73: {  	[tilespmem:v0+s2+$0x0] =	vst.idx.msk $0xffff, v22  }
0x74: {  	[tilespmem:v1+s2+$0x0] =	vst.idx.msk $0xffff, v21  }
0x75: {  	v21 =	vld [tilespmem:$0x10];
	_ =	sdelay $0x4  }
0x76: {  	v22 =	vadd.s32 v2, v21;
	v21 =	vadd.s32 v3, v21  }
0x77: {  	[tilespmem:v4+s2+$0x0] =	vst.idx.msk $0xffff, v22  }
0x78: {  	[tilespmem:v5+s2+$0x0] =	vst.idx.msk $0xffff, v21  }
0x79: {  	[tilespmem:s15], [sflag:$0x3] =	stream.indirect.gather [hbm4b:s3+s13], $0x1, s14, s13, $0xb8;
	[tilespmem:$0x300] =	vst v63  }
0x7a: {  	_ =	swait.ge [sflag:s16], $0x60  }
0x7b: {  	[sflag:s16] =	ssyncset.done $0x0  }
0x7c: {  	[sflag:s16] =	ssyncadd.s32 $0xFFFFFFA0  }
0x7d: {  	v21 =	vld.idx.msk [tilespmem:v7+s2+$0x0], $0xffff  }
0x7e: {  	v22 =	vld.idx.msk [tilespmem:v6+s2+$0x0], $0xffff  }
0x7f: {  	v23 =	vld.idx.msk [tilespmem:v8+s2+$0x0], $0xffff;
	_ =	sdelay $0x3  }
0x80: {  	v21 =	vshll.u32 v21, $0x7  }
0x81: {  	v22 =	vshll.u32 v22, $0xE  }
0x82: {  	v22 =	vadd.s32 v9, v22  }
0x83: {  	v21 =	vadd.s32 v21, v22  }
0x84: {  	v21 =	vadd.s32 v23, v21  }
0x85: {  	[tilespmem:$0xC0] =	vst v21  }
0x86: {  	v21 =	vld.idx.msk [tilespmem:v10+s2+$0x0], $0xffff  }
0x87: {  	v22 =	vld.idx.msk [tilespmem:v11+s2+$0x0], $0xffff;
	_ =	sdelay $0x1  }
0x88: {  	v23 =	vld.idx.msk [tilespmem:v12+s2+$0x0], $0xffff;
	_ =	sdelay $0x2  }
0x89: {  	v21 =	vshll.u32 v21, $0xE  }
0x8a: {  	v21 =	vadd.s32 v9, v21;
	v22 =	vshll.u32 v22, $0x7  }
0x8b: {  	v21 =	vadd.s32 v22, v21  }
0x8c: {  	v21 =	vadd.s32 v23, v21  }
0x8d: {  	[tilespmem:$0xD0] =	vst v21  }
0x8e: {  	[tilespmem:s18], [sflag:$0x3] =	stream.indirect.gather [hbm4b:s4+s7], $0x1, s17, s7, $0xb8;
	[tilespmem:$0x300] =	vst v63  }
0x8f: {  	_ =	swait.ge [sflag:s19], $0x20  }
0x90: {  	[sflag:s19] =	ssyncset.done $0x0  }
0x91: {  	[sflag:s19] =	ssyncadd.s32 $0xFFFFFFE0  }
0x92: {  	_ =	swait.ge [sflag:s19], $0x40  }
0x93: {  	[sflag:s19] =	ssyncset.done $0x0  }
0x94: {  	[sflag:s19] =	ssyncadd.s32 $0xFFFFFFC0  }
0x95: {  	_ =	swait.ge [sflag:s19], $0x40  }
0x96: {  	[sflag:s19] =	ssyncset.done $0x0  }
0x97: {  	[sflag:s19] =	ssyncadd.s32 $0xFFFFFFC0  }
0x98: {  	_ =	swait.ge [sflag:s19], $0x20  }
0x99: {  	[sflag:s19] =	ssyncset.done $0x0  }
0x9a: {  	[sflag:s19] =	ssyncadd.s32 $0xFFFFFFE0  }
0x9b: {  	v21 =	vld [tilespmem:$0x180]  }
0x9c: {  	v22 =	vld [tilespmem:$0x150]  }
0x9d: {  	v23 =	vld [tilespmem:$0x170]  }
0x9e: {  	v24 =	vld [tilespmem:$0x100]  }
0x9f: {  	v25 =	vld [tilespmem:$0x140]  }
0xa0: {  	v26 =	vld [tilespmem:$0x190]  }
0xa1: {  	v27 =	vld [tilespmem:$0x130]  }
0xa2: {  	v28 =	vld [tilespmem:$0x160]  }
0xa3: {  	v29 =	vld.idx.msk [tilespmem:v14+s9+$0x0], $0xffff  }
0xa4: {  	v30 =	vld [tilespmem:$0x120];
	v21 =	vsub.f32 v21, v25  }
0xa5: {  	v22 =	vsub.f32 v26, v22;
	v25 =	vld [tilespmem:$0x110]  }
0xa6: {  	v27 =	vsub.f32 v23, v27;
	v23 =	vand.u32 $0x7FFFFFFF, v21;
	v26 =	vld.idx.msk [tilespmem:v20+s9+$0x0], $0xffff  }
0xa7: {  	v33 =	vadd.f32 $0.0e+00, v24;
	v31 =	vld.idx.msk [tilespmem:v13+s9+$0x0], $0xffff;
	v32 =	vmul.f32 $5.000000000e-01, v23;
	v21 =	vadd.f32 $-5.000000000e-01, v23  }
0xa8: {  	v22 =	vand.u32 $0x7FFFFFFF, v22;
	v27 =	vand.u32 $0x7FFFFFFF, v27;
	v34 =	vld.idx.msk [tilespmem:v15+s9+$0x0], $0xffff  }
0xa9: {  	v29 =	vadd.f32 $1.000000000e+00, v29;
	v28 =	vsub.f32 v28, v30;
	v30 =	vmul.f32 $5.000000000e-01, v27;
	v35 =	vld.idx.msk [tilespmem:v18+s9+$0x0], $0xffff  }
0xaa: {  	v36 =	vmul.f32 $5.000000000e-01, v22;
	v24 =	vmul.f32 v32, v23;
	v32 =	vld.idx.msk [tilespmem:v16+s9+$0x0], $0xffff;
	v33 =	vadd.f32 v25, v33  }
0xab: {  	v28 =	vand.u32 $0x7FFFFFFF, v28;
	v25 =	vmul.f32 v30, v27;
	v30 =	vadd.f32 $-5.000000000e-01, v27;
	v37 =	vld.idx.msk [tilespmem:v19+s9+$0x0], $0xffff  }
0xac: {  	vm0 =	vlt.f32 v27, $1.000000000e+00;
	v29 =	vmul.f32 v29, v29;
	v38 =	vmul.f32 $5.000000000e-01, v28;
	v39 =	vld.idx.msk [tilespmem:v17+s9+$0x0], $0xffff  }
0xad: {  	v27 =	vsel vm0, v25, v30;
	v25 =	vmul.f32 v36, v22;
	[tilespmem:$0x280] =	vst v33  }
0xae: {  	v33 =	vadd.f32 $-5.000000000e-01, v28;
	v34 =	vadd.f32 $1.000000000e+00, v34;
	v30 =	vmul.f32 v38, v28  }
0xaf: {  	vm0 =	vlt.f32 v28, $1.000000000e+00;
	v28 =	vmul.f32 v29, v31  }
.Ltmp1:
0xb0: {  	v31 =	vadd.f32 $1.000000000e+00, v32;
	v29 =	vsel vm0, v30, v33;
	v30 =	vmul.f32 v34, v34;
	(pc) =	sbr.rel @p0 .LBB2_1-.Ltmp1, $4  }
0xb1: {  	v28 =	vmul.f32 $5.000000000e-01, v28;
	v32 =	vadd.f32 $1.000000000e+00, v37  }
0xb2: {  	v31 =	vmul.f32 v31, v31;
	v30 =	vmul.f32 v30, v39  }
0xb3: {  	v28 =	vmul.f32 v28, v29;
	v29 =	vmul.f32 v32, v32  }
0xb4: {  	v31 =	vmul.f32 v31, v35;
	v30 =	vmul.f32 $5.000000000e-01, v30  }
.LBB2_2:
0xb5: {  	vm0 =	vlt.f32 v23, $1.000000000e+00;
	v0 =	vmul.f32 v29, v26  }
0xb6: {  	v1 =	vadd.f32 $0.0e+00, v28;
	v2 =	vmul.f32 v30, v27;
	v3 =	vmul.f32 $5.000000000e-01, v31  }
0xb7: {  	v5 =	vadd.f32 $-5.000000000e-01, v22;
	vm15 =	vlt.f32 v22, $1.000000000e+00;
	v4 =	vsel vm0, v24, v21  }
0xb8: {  	v0 =	vmul.f32 $5.000000000e-01, v0;
	v1 =	vadd.f32 v2, v1;
	v62 =	vmul.f32 v3, v4  }
0xb9: {  	v63 =	vsel vm15, v25, v5  }
0xba: {  	v0 =	vmul.f32 v0, v63;
	v1 =	vadd.f32 v62, v1;
	_ =	sdelay $0x1  }
0xbb: {  	v0 =	vadd.f32 v0, v1;
	_ =	sdelay $0x1  }
0xbc: {  	[tilespmem:$0x200] =	vst v0  }
0xbd: {  	[hbm4b:s20+s2] =	stream.linear.scatter [tilespmem:s22], [sflag:$0x4], $0x100, $0x38;
	[tilespmem:$0x300] =	vst v63  }
0xbe: {  	_ =	swait.ge [sflag:s21], $0x100  }
0xbf: {  	[sflag:s21] =	ssyncset.done $0x0  }
0xc0: {  	[sflag:s21] =	ssyncadd.s32 $0xFFFFFF00  }
0xc1: {  	_ =	sfence.sel $0x180000  }
0xc2: {  	[bflag:$0x0] =	sbarrier.arrive $0xFFFF  }
0xc3: {  	p0 =	sne.s32 s0, $0x0;
	_ =	strace $0x90000047  }
0xc4: {  	s0 =	sadd.s32 @!p0 $0x100000, s1;
	[bflag:$0x2] =	sbarrier.arrive $0xFFFF  }
0xc5: {  	[sflag:s0] =	ssyncadd.tile.s32 @!p0 $0x1;
	_ =	shalt  }
.Lfunc_end2:
_tile_overlayer_lowered:
.L_overlay_start_2:
0xc6: {  	(tag) =	ssettag $0x2  }
0xc7: {  	s0 =	rddreg [dreg:$0x0];
	s2 =	stileid.u32  }
0xc8: {  	s1 =	rddreg [dreg:$0x1];
	p0 =	sne.s32 s2, $0x0  }
0xc9: {  	s3 =	rddreg [dreg:$0x2];
	[bflag:$0x3] =	sbarrier.arrive $0xFFFF;
	s2 =	simm.s32 @!p0 $0x1C04  }
0xca: {  	[timem:s3], [sflag:s2] =	dma.local @!p0 [hbm:s0], s1  }
0xcb: {  	s0 =	simm.s32 @!p0 $0x4  }
0xcc: {  	_ =	swait.ge @!p0 [sflag:s0], s1  }
0xcd: {  	s1 =	ssub.s32 @!p0 $0x0, s1;
	[sflag:s0] =	ssyncset.done @!p0 $0x0  }
0xce: {  	[sflag:s0] =	ssyncadd.s32 @!p0 s1  }
0xcf: {  	[bflag:$0x3] =	sbarrier.arrive $0xFFFF  }
0xd0: {  	_ =	shalt  }

</sc_bundles>
